<compile_context>
chip_gen: v7x
topology: tpu7x:2x2x1
jax: 0.10.2.dev20260603
libtpu: 0.0.44.dev20260713+nightly
codegen_flags: <defaults>
</compile_context>

<pallas_src>
import functools

import jax
import jax.numpy as jnp
from jax import lax
from jax.experimental import pallas as pl
from jax.experimental.pallas import tpu as pltpu
from jax.experimental.pallas import tpu_sc as plsc

_BATCH = 1024
_CLASSES = 1000
_DIM = 16
_OUT_W = _CLASSES * _DIM
_ROWS = 32

_NUM_CORES = 2
_NUM_SUBCORES = 16
_NW = _NUM_CORES * _NUM_SUBCORES
_BPW = _BATCH // _NW


def _fill_body(t0_ref, out_ref):
    out_ref[...] = jnp.broadcast_to(t0_ref[...], (_ROWS, _OUT_W))


def _sc_scatter_body(data_hbm, e1_hbm, out_hbm, data_v, e1_v, sem):
    wid = lax.axis_index("s") * _NUM_CORES + lax.axis_index("c")
    base = wid * _BPW
    pltpu.sync_copy(data_hbm.at[pl.ds(base, _BPW)], data_v)
    pltpu.sync_copy(e1_hbm, e1_v)
    copies = []
    for k in range(_BPW // 16):
        vec = data_v[pl.ds(k * 16, 16)]
        for t in range(16):
            off = vec[t] * _DIM
            row = base + k * 16 + t
            copies.append(
                pltpu.async_copy(e1_v, out_hbm.at[row, pl.ds(off, _DIM)], sem)
            )
    for cp in copies:
        cp.wait()


_sc_scatter = pl.kernel(
    _sc_scatter_body,
    out_type=(),
    mesh=plsc.VectorSubcoreMesh(core_axis_name="c", subcore_axis_name="s"),
    scratch_types=[
        pltpu.VMEM((_BPW,), jnp.int32),
        pltpu.VMEM((_DIM,), jnp.float32),
        pltpu.SemaphoreType.DMA,
    ],
)


def kernel(data, embed_weight):
    t0 = jnp.broadcast_to(embed_weight[0:1, :], (_CLASSES, _DIM)).reshape(1, _OUT_W)
    e1 = embed_weight[1]
    filled = pl.pallas_call(
        _fill_body,
        grid=(_BATCH // _ROWS,),
        in_specs=[pl.BlockSpec((1, _OUT_W), lambda i: (0, 0))],
        out_specs=pl.BlockSpec((_ROWS, _OUT_W), lambda i: (i, 0)),
        out_shape=jax.ShapeDtypeStruct((_BATCH, _OUT_W), jnp.float32),
    )(t0)
    out_ref = jax.new_ref(filled)
    _sc_scatter(data, e1, out_ref)
    return jax.freeze(out_ref)

# --- scband reference (transcript-rebuilt; emitter-appended) ---
"""Pipeline reference for scband-sample-data-preparation-31464930410627 (READ-ONLY COPY).

The authoritative reference and input builder live on the scoring server;
editing this copy changes nothing except your own understanding.
"""

import jax, jax.numpy as jnp
import numpy as np

MAX_VAR = 999
NUM_EMBEDDING = 1000
EMBEDDING_DIM = 16
BATCH = 1024

def setup_inputs(seed: int = 0) -> dict:
    key = jax.random.key(seed)
    k1, k2 = jax.random.split(key)
    data = jax.random.randint(k1, (BATCH,), 0, MAX_VAR + 1, dtype=jnp.int32)
    # learned embedding table, init ~ N(0,1) like torch.nn.init.normal_
    embed_weight = jax.random.normal(k2, (NUM_EMBEDDING, EMBEDDING_DIM), dtype=jnp.float32)
    return {"data": data, "embed_weight": embed_weight}

def reference(data, embed_weight):
    # data_name == 'Sample Variety' branch: one_hot(data, max_var + 1)
    onehot = jax.nn.one_hot(data, MAX_VAR + 1, dtype=jnp.int32)  # [B, C], values in {0,1}
    # torch.nn.Embedding applied to the one-hot integer tensor: gather rows 0/1 of the table
    emb = jnp.take(embed_weight, onehot, axis=0)  # [B, C, D]
    # flatten(start_dim=1)
    return emb.reshape(emb.shape[0], -1)  # [B, C*D]

if __name__ == "__main__":
    import jax
    _d = setup_inputs()
    print(jax.jit(kernel)(*tuple(_d.values())))

</pallas_src>

<mosaic_0001>
#map = affine_map<(d0, d1) -> (0)>
#map1 = affine_map<(d0, d1) -> (0, 0)>
module attributes {stable_mosaic.version = 14 : i64} {
  func.func @new_body(%arg0: i32, %arg1: i32, %arg2: memref<1024xi32, #tpu.memory_space<hbm>>, %arg3: memref<16xf32, #tpu.memory_space<hbm>>, %arg4: memref<1024x16000xf32, #tpu.memory_space<hbm>>, %arg5: memref<1024x16000xf32, #tpu.memory_space<hbm>>, %arg6: memref<32xi32, #tpu.memory_space<vmem>>, %arg7: memref<16xf32, #tpu.memory_space<vmem>>, %arg8: memref<!tpu.dma_semaphore, #tpu.memory_space<semaphore_mem>>) attributes {dimension_semantics = [#tpu.dimension_semantics<core_parallel>, #tpu.dimension_semantics<subcore_parallel>], iteration_bounds = array<i64: 2, 16>, scalar_prefetch = 0 : i64, scratch_operands = 3 : i64, tpu.core_type = #tpu.core_type<sc_vector_subcore>, window_params = [{transform_indices = #map}, {transform_indices = #map}, {transform_indices = #map1}, {transform_indices = #map1}]} {
    %mul3A = arith.constant 2 : i32
    %mul3A_0 = arith.muli %arg1, %mul3A : i32
    %add3A = arith.addi %mul3A_0, %arg0 : i32
    %mul3A_1 = arith.constant 32 : i32
    %mul3A_2 = arith.muli %add3A, %mul3A_1 : i32
    "tpu.region"() ({
      %run_scoped3A = tpu.sem_alloc : memref<!tpu.dma_semaphore, #tpu.memory_space<semaphore_mem>>
      %dma_start3A_516 = tpu.memref_slice %arg2[%mul3A_2] : memref<1024xi32, #tpu.memory_space<hbm>> -> memref<32xi32, #tpu.memory_space<hbm>>
      %dma_start3A_517 = tpu.memref_slice %arg2[%mul3A_2] : memref<1024xi32, #tpu.memory_space<hbm>> -> memref<32xi32, #tpu.memory_space<hbm>>
      tpu.enqueue_dma source(%dma_start3A_517 : memref<32xi32, #tpu.memory_space<hbm>>) target(%arg6 : memref<32xi32, #tpu.memory_space<vmem>>) target_semaphore(%run_scoped3A : memref<!tpu.dma_semaphore, #tpu.memory_space<semaphore_mem>>)
      %dma_wait3A_518 = tpu.memref_slice %arg2[%mul3A_2] : memref<1024xi32, #tpu.memory_space<hbm>> -> memref<32xi32, #tpu.memory_space<hbm>>
      %dma_wait3A_519 = tpu.memref_slice %arg2[%mul3A_2] : memref<1024xi32, #tpu.memory_space<hbm>> -> memref<32xi32, #tpu.memory_space<hbm>>
      tpu.wait_dma2 semaphore(%run_scoped3A : memref<!tpu.dma_semaphore, #tpu.memory_space<semaphore_mem>>) src(%dma_wait3A_519 : memref<32xi32, #tpu.memory_space<hbm>>) dst(%arg6 : memref<32xi32, #tpu.memory_space<vmem>>)
      tpu.yield
    }) : () -> ()
    "tpu.region"() ({
      %run_scoped3A = tpu.sem_alloc : memref<!tpu.dma_semaphore, #tpu.memory_space<semaphore_mem>>
      tpu.enqueue_dma source(%arg3 : memref<16xf32, #tpu.memory_space<hbm>>) target(%arg7 : memref<16xf32, #tpu.memory_space<vmem>>) target_semaphore(%run_scoped3A : memref<!tpu.dma_semaphore, #tpu.memory_space<semaphore_mem>>)
      tpu.wait_dma2 semaphore(%run_scoped3A : memref<!tpu.dma_semaphore, #tpu.memory_space<semaphore_mem>>) src(%arg3 : memref<16xf32, #tpu.memory_space<hbm>>) dst(%arg7 : memref<16xf32, #tpu.memory_space<vmem>>)
      tpu.yield
    }) : () -> ()
    %get3A = arith.constant 0 : index
    %get3A_3 = tpu.vector_load %arg6[%get3A] {strides = array<i32>} : memref<32xi32, #tpu.memory_space<vmem>>, vector<16xi32>,
    %get3A_4 = vector.shape_cast %get3A_3 : vector<16xi32> to vector<16xi32>
    %slice3A = vector.extract_strided_slice %get3A_4 {offsets = [0], sizes = [1], strides = [1]} : vector<16xi32> to vector<1xi32>
    %squeeze3A = vector.extract %slice3A[0] : i32 from vector<1xi32>
    %mul3A_5 = arith.constant 16 : i32
    %mul3A_6 = arith.muli %squeeze3A, %mul3A_5 : i32
    %add3A_7 = arith.constant 0 : i32
    %add3A_8 = arith.addi %mul3A_2, %add3A_7 : i32
    %add3A_9 = arith.constant 0 : i32
    %add3A_10 = arith.addi %add3A_8, %add3A_9 : i32
    %dma_start3A = tpu.memref_slice %arg4[%add3A_10, %mul3A_6] : memref<1024x16000xf32, #tpu.memory_space<hbm>> -> memref<1x16xf32, #tpu.memory_space<hbm>>
    %dma_start3A_11 = tpu.memref_squeeze %dma_start3A : memref<1x16xf32, #tpu.memory_space<hbm>> -> memref<16xf32, #tpu.memory_space<hbm>>
    %dma_start3A_12 = tpu.memref_slice %arg4[%add3A_10, %mul3A_6] : memref<1024x16000xf32, #tpu.memory_space<hbm>> -> memref<1x16xf32, #tpu.memory_space<hbm>>
    %dma_start3A_13 = tpu.memref_squeeze %dma_start3A_12 : memref<1x16xf32, #tpu.memory_space<hbm>> -> memref<16xf32, #tpu.memory_space<hbm>>
    tpu.enqueue_dma source(%arg7 : memref<16xf32, #tpu.memory_space<vmem>>) target(%dma_start3A_13 : memref<16xf32, #tpu.memory_space<hbm>>) target_semaphore(%arg8 : memref<!tpu.dma_semaphore, #tpu.memory_space<semaphore_mem>>)
    %slice3A_14 = vector.extract_strided_slice %get3A_4 {offsets = [1], sizes = [1], strides = [1]} : vector<16xi32> to vector<1xi32>
    %squeeze3A_15 = vector.extract %slice3A_14[0] : i32 from vector<1xi32>
    %mul3A_16 = arith.constant 16 : i32
    %mul3A_17 = arith.muli %squeeze3A_15, %mul3A_16 : i32
    %add3A_18 = arith.constant 0 : i32
    %add3A_19 = arith.addi %mul3A_2, %add3A_18 : i32
    %add3A_20 = arith.constant 1 : i32
    %add3A_21 = arith.addi %add3A_19, %add3A_20 : i32
    %dma_start3A_22 = tpu.memref_slice %arg4[%add3A_21, %mul3A_17] : memref<1024x16000xf32, #tpu.memory_space<hbm>> -> memref<1x16xf32, #tpu.memory_space<hbm>>
    %dma_start3A_23 = tpu.memref_squeeze %dma_start3A_22 : memref<1x16xf32, #tpu.memory_space<hbm>> -> memref<16xf32, #tpu.memory_space<hbm>>
    %dma_start3A_24 = tpu.memref_slice %arg4[%add3A_21, %mul3A_17] : memref<1024x16000xf32, #tpu.memory_space<hbm>> -> memref<1x16xf32, #tpu.memory_space<hbm>>
    %dma_start3A_25 = tpu.memref_squeeze %dma_start3A_24 : memref<1x16xf32, #tpu.memory_space<hbm>> -> memref<16xf32, #tpu.memory_space<hbm>>
    tpu.enqueue_dma source(%arg7 : memref<16xf32, #tpu.memory_space<vmem>>) target(%dma_start3A_25 : memref<16xf32, #tpu.memory_space<hbm>>) target_semaphore(%arg8 : memref<!tpu.dma_semaphore, #tpu.memory_space<semaphore_mem>>)
    %slice3A_26 = vector.extract_strided_slice %get3A_4 {offsets = [2], sizes = [1], strides = [1]} : vector<16xi32> to vector<1xi32>
    %squeeze3A_27 = vector.extract %slice3A_26[0] : i32 from vector<1xi32>
    %mul3A_28 = arith.constant 16 : i32
    %mul3A_29 = arith.muli %squeeze3A_27, %mul3A_28 : i32
    %add3A_30 = arith.constant 0 : i32
    %add3A_31 = arith.addi %mul3A_2, %add3A_30 : i32
    %add3A_32 = arith.constant 2 : i32
    %add3A_33 = arith.addi %add3A_31, %add3A_32 : i32
    %dma_start3A_34 = tpu.memref_slice %arg4[%add3A_33, %mul3A_29] : memref<1024x16000xf32, #tpu.memory_space<hbm>> -> memref<1x16xf32, #tpu.memory_space<hbm>>
    %dma_start3A_35 = tpu.memref_squeeze %dma_start3A_34 : memref<1x16xf32, #tpu.memory_space<hbm>> -> memref<16xf32, #tpu.memory_space<hbm>>
    %dma_start3A_36 = tpu.memref_slice %arg4[%add3A_33, %mul3A_29] : memref<1024x16000xf32, #tpu.memory_space<hbm>> -> memref<1x16xf32, #tpu.memory_space<hbm>>
    %dma_start3A_37 = tpu.memref_squeeze %dma_start3A_36 : memref<1x16xf32, #tpu.memory_space<hbm>> -> memref<16xf32, #tpu.memory_space<hbm>>
    tpu.enqueue_dma source(%arg7 : memref<16xf32, #tpu.memory_space<vmem>>) target(%dma_start3A_37 : memref<16xf32, #tpu.memory_space<hbm>>) target_semaphore(%arg8 : memref<!tpu.dma_semaphore, #tpu.memory_space<semaphore_mem>>)
    %slice3A_38 = vector.extract_strided_slice %get3A_4 {offsets = [3], sizes = [1], strides = [1]} : vector<16xi32> to vector<1xi32>
    %squeeze3A_39 = vector.extract %slice3A_38[0] : i32 from vector<1xi32>
    %mul3A_40 = arith.constant 16 : i32
    %mul3A_41 = arith.muli %squeeze3A_39, %mul3A_40 : i32
    %add3A_42 = arith.constant 0 : i32
    %add3A_43 = arith.addi %mul3A_2, %add3A_42 : i32
    %add3A_44 = arith.constant 3 : i32
    %add3A_45 = arith.addi %add3A_43, %add3A_44 : i32
    %dma_start3A_46 = tpu.memref_slice %arg4[%add3A_45, %mul3A_41] : memref<1024x16000xf32, #tpu.memory_space<hbm>> -> memref<1x16xf32, #tpu.memory_space<hbm>>
    %dma_start3A_47 = tpu.memref_squeeze %dma_start3A_46 : memref<1x16xf32, #tpu.memory_space<hbm>> -> memref<16xf32, #tpu.memory_space<hbm>>
    %dma_start3A_48 = tpu.memref_slice %arg4[%add3A_45, %mul3A_41] : memref<1024x16000xf32, #tpu.memory_space<hbm>> -> memref<1x16xf32, #tpu.memory_space<hbm>>
    %dma_start3A_49 = tpu.memref_squeeze %dma_start3A_48 : memref<1x16xf32, #tpu.memory_space<hbm>> -> memref<16xf32, #tpu.memory_space<hbm>>
    tpu.enqueue_dma source(%arg7 : memref<16xf32, #tpu.memory_space<vmem>>) target(%dma_start3A_49 : memref<16xf32, #tpu.memory_space<hbm>>) target_semaphore(%arg8 : memref<!tpu.dma_semaphore, #tpu.memory_space<semaphore_mem>>)
    %slice3A_50 = vector.extract_strided_slice %get3A_4 {offsets = [4], sizes = [1], strides = [1]} : vector<16xi32> to vector<1xi32>
    %squeeze3A_51 = vector.extract %slice3A_50[0] : i32 from vector<1xi32>
    %mul3A_52 = arith.constant 16 : i32
    %mul3A_53 = arith.muli %squeeze3A_51, %mul3A_52 : i32
    %add3A_54 = arith.constant 0 : i32
    %add3A_55 = arith.addi %mul3A_2, %add3A_54 : i32
    %add3A_56 = arith.constant 4 : i32
    %add3A_57 = arith.addi %add3A_55, %add3A_56 : i32
    %dma_start3A_58 = tpu.memref_slice %arg4[%add3A_57, %mul3A_53] : memref<1024x16000xf32, #tpu.memory_space<hbm>> -> memref<1x16xf32, #tpu.memory_space<hbm>>
    %dma_start3A_59 = tpu.memref_squeeze %dma_start3A_58 : memref<1x16xf32, #tpu.memory_space<hbm>> -> memref<16xf32, #tpu.memory_space<hbm>>
    %dma_start3A_60 = tpu.memref_slice %arg4[%add3A_57, %mul3A_53] : memref<1024x16000xf32, #tpu.memory_space<hbm>> -> memref<1x16xf32, #tpu.memory_space<hbm>>
    %dma_start3A_61 = tpu.memref_squeeze %dma_start3A_60 : memref<1x16xf32, #tpu.memory_space<hbm>> -> memref<16xf32, #tpu.memory_space<hbm>>
    tpu.enqueue_dma source(%arg7 : memref<16xf32, #tpu.memory_space<vmem>>) target(%dma_start3A_61 : memref<16xf32, #tpu.memory_space<hbm>>) target_semaphore(%arg8 : memref<!tpu.dma_semaphore, #tpu.memory_space<semaphore_mem>>)
    %slice3A_62 = vector.extract_strided_slice %get3A_4 {offsets = [5], sizes = [1], strides = [1]} : vector<16xi32> to vector<1xi32>
    %squeeze3A_63 = vector.extract %slice3A_62[0] : i32 from vector<1xi32>
    %mul3A_64 = arith.constant 16 : i32
    %mul3A_65 = arith.muli %squeeze3A_63, %mul3A_64 : i32
    %add3A_66 = arith.constant 0 : i32
    %add3A_67 = arith.addi %mul3A_2, %add3A_66 : i32
    %add3A_68 = arith.constant 5 : i32
    %add3A_69 = arith.addi %add3A_67, %add3A_68 : i32
    %dma_start3A_70 = tpu.memref_slice %arg4[%add3A_69, %mul3A_65] : memref<1024x16000xf32, #tpu.memory_space<hbm>> -> memref<1x16xf32, #tpu.memory_space<hbm>>
    %dma_start3A_71 = tpu.memref_squeeze %dma_start3A_70 : memref<1x16xf32, #tpu.memory_space<hbm>> -> memref<16xf32, #tpu.memory_space<hbm>>
    %dma_start3A_72 = tpu.memref_slice %arg4[%add3A_69, %mul3A_65] : memref<1024x16000xf32, #tpu.memory_space<hbm>> -> memref<1x16xf32, #tpu.memory_space<hbm>>
    %dma_start3A_73 = tpu.memref_squeeze %dma_start3A_72 : memref<1x16xf32, #tpu.memory_space<hbm>> -> memref<16xf32, #tpu.memory_space<hbm>>
    tpu.enqueue_dma source(%arg7 : memref<16xf32, #tpu.memory_space<vmem>>) target(%dma_start3A_73 : memref<16xf32, #tpu.memory_space<hbm>>) target_semaphore(%arg8 : memref<!tpu.dma_semaphore, #tpu.memory_space<semaphore_mem>>)
    %slice3A_74 = vector.extract_strided_slice %get3A_4 {offsets = [6], sizes = [1], strides = [1]} : vector<16xi32> to vector<1xi32>
    %squeeze3A_75 = vector.extract %slice3A_74[0] : i32 from vector<1xi32>
    %mul3A_76 = arith.constant 16 : i32
    %mul3A_77 = arith.muli %squeeze3A_75, %mul3A_76 : i32
    %add3A_78 = arith.constant 0 : i32
    %add3A_79 = arith.addi %mul3A_2, %add3A_78 : i32
    %add3A_80 = arith.constant 6 : i32
    %add3A_81 = arith.addi %add3A_79, %add3A_80 : i32
    %dma_start3A_82 = tpu.memref_slice %arg4[%add3A_81, %mul3A_77] : memref<1024x16000xf32, #tpu.memory_space<hbm>> -> memref<1x16xf32, #tpu.memory_space<hbm>>
    %dma_start3A_83 = tpu.memref_squeeze %dma_start3A_82 : memref<1x16xf32, #tpu.memory_space<hbm>> -> memref<16xf32, #tpu.memory_space<hbm>>
    %dma_start3A_84 = tpu.memref_slice %arg4[%add3A_81, %mul3A_77] : memref<1024x16000xf32, #tpu.memory_space<hbm>> -> memref<1x16xf32, #tpu.memory_space<hbm>>
    %dma_start3A_85 = tpu.memref_squeeze %dma_start3A_84 : memref<1x16xf32, #tpu.memory_space<hbm>> -> memref<16xf32, #tpu.memory_space<hbm>>
    tpu.enqueue_dma source(%arg7 : memref<16xf32, #tpu.memory_space<vmem>>) target(%dma_start3A_85 : memref<16xf32, #tpu.memory_space<hbm>>) target_semaphore(%arg8 : memref<!tpu.dma_semaphore, #tpu.memory_space<semaphore_mem>>)
    %slice3A_86 = vector.extract_strided_slice %get3A_4 {offsets = [7], sizes = [1], strides = [1]} : vector<16xi32> to vector<1xi32>
    %squeeze3A_87 = vector.extract %slice3A_86[0] : i32 from vector<1xi32>
    %mul3A_88 = arith.constant 16 : i32
    %mul3A_89 = arith.muli %squeeze3A_87, %mul3A_88 : i32
    %add3A_90 = arith.constant 0 : i32
    %add3A_91 = arith.addi %mul3A_2, %add3A_90 : i32
    %add3A_92 = arith.constant 7 : i32
    %add3A_93 = arith.addi %add3A_91, %add3A_92 : i32
    %dma_start3A_94 = tpu.memref_slice %arg4[%add3A_93, %mul3A_89] : memref<1024x16000xf32, #tpu.memory_space<hbm>> -> memref<1x16xf32, #tpu.memory_space<hbm>>
    %dma_start3A_95 = tpu.memref_squeeze %dma_start3A_94 : memref<1x16xf32, #tpu.memory_space<hbm>> -> memref<16xf32, #tpu.memory_space<hbm>>
    %dma_start3A_96 = tpu.memref_slice %arg4[%add3A_93, %mul3A_89] : memref<1024x16000xf32, #tpu.memory_space<hbm>> -> memref<1x16xf32, #tpu.memory_space<hbm>>
    %dma_start3A_97 = tpu.memref_squeeze %dma_start3A_96 : memref<1x16xf32, #tpu.memory_space<hbm>> -> memref<16xf32, #tpu.memory_space<hbm>>
    tpu.enqueue_dma source(%arg7 : memref<16xf32, #tpu.memory_space<vmem>>) target(%dma_start3A_97 : memref<16xf32, #tpu.memory_space<hbm>>) target_semaphore(%arg8 : memref<!tpu.dma_semaphore, #tpu.memory_space<semaphore_mem>>)
    %slice3A_98 = vector.extract_strided_slice %get3A_4 {offsets = [8], sizes = [1], strides = [1]} : vector<16xi32> to vector<1xi32>
    %squeeze3A_99 = vector.extract %slice3A_98[0] : i32 from vector<1xi32>
    %mul3A_100 = arith.constant 16 : i32
    %mul3A_101 = arith.muli %squeeze3A_99, %mul3A_100 : i32
    %add3A_102 = arith.constant 0 : i32
    %add3A_103 = arith.addi %mul3A_2, %add3A_102 : i32
    %add3A_104 = arith.constant 8 : i32
    %add3A_105 = arith.addi %add3A_103, %add3A_104 : i32
    %dma_start3A_106 = tpu.memref_slice %arg4[%add3A_105, %mul3A_101] : memref<1024x16000xf32, #tpu.memory_space<hbm>> -> memref<1x16xf32, #tpu.memory_space<hbm>>
    %dma_start3A_107 = tpu.memref_squeeze %dma_start3A_106 : memref<1x16xf32, #tpu.memory_space<hbm>> -> memref<16xf32, #tpu.memory_space<hbm>>
    %dma_start3A_108 = tpu.memref_slice %arg4[%add3A_105, %mul3A_101] : memref<1024x16000xf32, #tpu.memory_space<hbm>> -> memref<1x16xf32, #tpu.memory_space<hbm>>
    %dma_start3A_109 = tpu.memref_squeeze %dma_start3A_108 : memref<1x16xf32, #tpu.memory_space<hbm>> -> memref<16xf32, #tpu.memory_space<hbm>>
    tpu.enqueue_dma source(%arg7 : memref<16xf32, #tpu.memory_space<vmem>>) target(%dma_start3A_109 : memref<16xf32, #tpu.memory_space<hbm>>) target_semaphore(%arg8 : memref<!tpu.dma_semaphore, #tpu.memory_space<semaphore_mem>>)
    %slice3A_110 = vector.extract_strided_slice %get3A_4 {offsets = [9], sizes = [1], strides = [1]} : vector<16xi32> to vector<1xi32>
    %squeeze3A_111 = vector.extract %slice3A_110[0] : i32 from vector<1xi32>
    %mul3A_112 = arith.constant 16 : i32
    %mul3A_113 = arith.muli %squeeze3A_111, %mul3A_112 : i32
    %add3A_114 = arith.constant 0 : i32
    %add3A_115 = arith.addi %mul3A_2, %add3A_114 : i32
    %add3A_116 = arith.constant 9 : i32
    %add3A_117 = arith.addi %add3A_115, %add3A_116 : i32
    %dma_start3A_118 = tpu.memref_slice %arg4[%add3A_117, %mul3A_113] : memref<1024x16000xf32, #tpu.memory_space<hbm>> -> memref<1x16xf32, #tpu.memory_space<hbm>>
    %dma_start3A_119 = tpu.memref_squeeze %dma_start3A_118 : memref<1x16xf32, #tpu.memory_space<hbm>> -> memref<16xf32, #tpu.memory_space<hbm>>
    %dma_start3A_120 = tpu.memref_slice %arg4[%add3A_117, %mul3A_113] : memref<1024x16000xf32, #tpu.memory_space<hbm>> -> memref<1x16xf32, #tpu.memory_space<hbm>>
    %dma_start3A_121 = tpu.memref_squeeze %dma_start3A_120 : memref<1x16xf32, #tpu.memory_space<hbm>> -> memref<16xf32, #tpu.memory_space<hbm>>
    tpu.enqueue_dma source(%arg7 : memref<16xf32, #tpu.memory_space<vmem>>) target(%dma_start3A_121 : memref<16xf32, #tpu.memory_space<hbm>>) target_semaphore(%arg8 : memref<!tpu.dma_semaphore, #tpu.memory_space<semaphore_mem>>)
    %slice3A_122 = vector.extract_strided_slice %get3A_4 {offsets = [10], sizes = [1], strides = [1]} : vector<16xi32> to vector<1xi32>
    %squeeze3A_123 = vector.extract %slice3A_122[0] : i32 from vector<1xi32>
    %mul3A_124 = arith.constant 16 : i32
    %mul3A_125 = arith.muli %squeeze3A_123, %mul3A_124 : i32
    %add3A_126 = arith.constant 0 : i32
    %add3A_127 = arith.addi %mul3A_2, %add3A_126 : i32
    %add3A_128 = arith.constant 10 : i32
    %add3A_129 = arith.addi %add3A_127, %add3A_128 : i32
    %dma_start3A_130 = tpu.memref_slice %arg4[%add3A_129, %mul3A_125] : memref<1024x16000xf32, #tpu.memory_space<hbm>> -> memref<1x16xf32, #tpu.memory_space<hbm>>
    %dma_start3A_131 = tpu.memref_squeeze %dma_start3A_130 : memref<1x16xf32, #tpu.memory_space<hbm>> -> memref<16xf32, #tpu.memory_space<hbm>>
    %dma_start3A_132 = tpu.memref_slice %arg4[%add3A_129, %mul3A_125] : memref<1024x16000xf32, #tpu.memory_space<hbm>> -> memref<1x16xf32, #tpu.memory_space<hbm>>
    %dma_start3A_133 = tpu.memref_squeeze %dma_start3A_132 : memref<1x16xf32, #tpu.memory_space<hbm>> -> memref<16xf32, #tpu.memory_space<hbm>>
    tpu.enqueue_dma source(%arg7 : memref<16xf32, #tpu.memory_space<vmem>>) target(%dma_start3A_133 : memref<16xf32, #tpu.memory_space<hbm>>) target_semaphore(%arg8 : memref<!tpu.dma_semaphore, #tpu.memory_space<semaphore_mem>>)
    %slice3A_134 = vector.extract_strided_slice %get3A_4 {offsets = [11], sizes = [1], strides = [1]} : vector<16xi32> to vector<1xi32>
    %squeeze3A_135 = vector.extract %slice3A_134[0] : i32 from vector<1xi32>
    %mul3A_136 = arith.constant 16 : i32
    %mul3A_137 = arith.muli %squeeze3A_135, %mul3A_136 : i32
    %add3A_138 = arith.constant 0 : i32
    %add3A_139 = arith.addi %mul3A_2, %add3A_138 : i32
    %add3A_140 = arith.constant 11 : i32
    %add3A_141 = arith.addi %add3A_139, %add3A_140 : i32
    %dma_start3A_142 = tpu.memref_slice %arg4[%add3A_141, %mul3A_137] : memref<1024x16000xf32, #tpu.memory_space<hbm>> -> memref<1x16xf32, #tpu.memory_space<hbm>>
    %dma_start3A_143 = tpu.memref_squeeze %dma_start3A_142 : memref<1x16xf32, #tpu.memory_space<hbm>> -> memref<16xf32, #tpu.memory_space<hbm>>
    %dma_start3A_144 = tpu.memref_slice %arg4[%add3A_141, %mul3A_137] : memref<1024x16000xf32, #tpu.memory_space<hbm>> -> memref<1x16xf32, #tpu.memory_space<hbm>>
    %dma_start3A_145 = tpu.memref_squeeze %dma_start3A_144 : memref<1x16xf32, #tpu.memory_space<hbm>> -> memref<16xf32, #tpu.memory_space<hbm>>
    tpu.enqueue_dma source(%arg7 : memref<16xf32, #tpu.memory_space<vmem>>) target(%dma_start3A_145 : memref<16xf32, #tpu.memory_space<hbm>>) target_semaphore(%arg8 : memref<!tpu.dma_semaphore, #tpu.memory_space<semaphore_mem>>)
    %slice3A_146 = vector.extract_strided_slice %get3A_4 {offsets = [12], sizes = [1], strides = [1]} : vector<16xi32> to vector<1xi32>
    %squeeze3A_147 = vector.extract %slice3A_146[0] : i32 from vector<1xi32>
    %mul3A_148 = arith.constant 16 : i32
    %mul3A_149 = arith.muli %squeeze3A_147, %mul3A_148 : i32
    %add3A_150 = arith.constant 0 : i32
    %add3A_151 = arith.addi %mul3A_2, %add3A_150 : i32
    %add3A_152 = arith.constant 12 : i32
    %add3A_153 = arith.addi %add3A_151, %add3A_152 : i32
    %dma_start3A_154 = tpu.memref_slice %arg4[%add3A_153, %mul3A_149] : memref<1024x16000xf32, #tpu.memory_space<hbm>> -> memref<1x16xf32, #tpu.memory_space<hbm>>
    %dma_start3A_155 = tpu.memref_squeeze %dma_start3A_154 : memref<1x16xf32, #tpu.memory_space<hbm>> -> memref<16xf32, #tpu.memory_space<hbm>>
    %dma_start3A_156 = tpu.memref_slice %arg4[%add3A_153, %mul3A_149] : memref<1024x16000xf32, #tpu.memory_space<hbm>> -> memref<1x16xf32, #tpu.memory_space<hbm>>
    %dma_start3A_157 = tpu.memref_squeeze %dma_start3A_156 : memref<1x16xf32, #tpu.memory_space<hbm>> -> memref<16xf32, #tpu.memory_space<hbm>>
    tpu.enqueue_dma source(%arg7 : memref<16xf32, #tpu.memory_space<vmem>>) target(%dma_start3A_157 : memref<16xf32, #tpu.memory_space<hbm>>) target_semaphore(%arg8 : memref<!tpu.dma_semaphore, #tpu.memory_space<semaphore_mem>>)
    %slice3A_158 = vector.extract_strided_slice %get3A_4 {offsets = [13], sizes = [1], strides = [1]} : vector<16xi32> to vector<1xi32>
    %squeeze3A_159 = vector.extract %slice3A_158[0] : i32 from vector<1xi32>
    %mul3A_160 = arith.constant 16 : i32
    %mul3A_161 = arith.muli %squeeze3A_159, %mul3A_160 : i32
    %add3A_162 = arith.constant 0 : i32
    %add3A_163 = arith.addi %mul3A_2, %add3A_162 : i32
    %add3A_164 = arith.constant 13 : i32
    %add3A_165 = arith.addi %add3A_163, %add3A_164 : i32
    %dma_start3A_166 = tpu.memref_slice %arg4[%add3A_165, %mul3A_161] : memref<1024x16000xf32, #tpu.memory_space<hbm>> -> memref<1x16xf32, #tpu.memory_space<hbm>>
    %dma_start3A_167 = tpu.memref_squeeze %dma_start3A_166 : memref<1x16xf32, #tpu.memory_space<hbm>> -> memref<16xf32, #tpu.memory_space<hbm>>
    %dma_start3A_168 = tpu.memref_slice %arg4[%add3A_165, %mul3A_161] : memref<1024x16000xf32, #tpu.memory_space<hbm>> -> memref<1x16xf32, #tpu.memory_space<hbm>>
    %dma_start3A_169 = tpu.memref_squeeze %dma_start3A_168 : memref<1x16xf32, #tpu.memory_space<hbm>> -> memref<16xf32, #tpu.memory_space<hbm>>
    tpu.enqueue_dma source(%arg7 : memref<16xf32, #tpu.memory_space<vmem>>) target(%dma_start3A_169 : memref<16xf32, #tpu.memory_space<hbm>>) target_semaphore(%arg8 : memref<!tpu.dma_semaphore, #tpu.memory_space<semaphore_mem>>)
    %slice3A_170 = vector.extract_strided_slice %get3A_4 {offsets = [14], sizes = [1], strides = [1]} : vector<16xi32> to vector<1xi32>
    %squeeze3A_171 = vector.extract %slice3A_170[0] : i32 from vector<1xi32>
    %mul3A_172 = arith.constant 16 : i32
    %mul3A_173 = arith.muli %squeeze3A_171, %mul3A_172 : i32
    %add3A_174 = arith.constant 0 : i32
    %add3A_175 = arith.addi %mul3A_2, %add3A_174 : i32
    %add3A_176 = arith.constant 14 : i32
    %add3A_177 = arith.addi %add3A_175, %add3A_176 : i32
    %dma_start3A_178 = tpu.memref_slice %arg4[%add3A_177, %mul3A_173] : memref<1024x16000xf32, #tpu.memory_space<hbm>> -> memref<1x16xf32, #tpu.memory_space<hbm>>
    %dma_start3A_179 = tpu.memref_squeeze %dma_start3A_178 : memref<1x16xf32, #tpu.memory_space<hbm>> -> memref<16xf32, #tpu.memory_space<hbm>>
    %dma_start3A_180 = tpu.memref_slice %arg4[%add3A_177, %mul3A_173] : memref<1024x16000xf32, #tpu.memory_space<hbm>> -> memref<1x16xf32, #tpu.memory_space<hbm>>
    %dma_start3A_181 = tpu.memref_squeeze %dma_start3A_180 : memref<1x16xf32, #tpu.memory_space<hbm>> -> memref<16xf32, #tpu.memory_space<hbm>>
    tpu.enqueue_dma source(%arg7 : memref<16xf32, #tpu.memory_space<vmem>>) target(%dma_start3A_181 : memref<16xf32, #tpu.memory_space<hbm>>) target_semaphore(%arg8 : memref<!tpu.dma_semaphore, #tpu.memory_space<semaphore_mem>>)
    %slice3A_182 = vector.extract_strided_slice %get3A_4 {offsets = [15], sizes = [1], strides = [1]} : vector<16xi32> to vector<1xi32>
    %squeeze3A_183 = vector.extract %slice3A_182[0] : i32 from vector<1xi32>
    %mul3A_184 = arith.constant 16 : i32
    %mul3A_185 = arith.muli %squeeze3A_183, %mul3A_184 : i32
    %add3A_186 = arith.constant 0 : i32
    %add3A_187 = arith.addi %mul3A_2, %add3A_186 : i32
    %add3A_188 = arith.constant 15 : i32
    %add3A_189 = arith.addi %add3A_187, %add3A_188 : i32
    %dma_start3A_190 = tpu.memref_slice %arg4[%add3A_189, %mul3A_185] : memref<1024x16000xf32, #tpu.memory_space<hbm>> -> memref<1x16xf32, #tpu.memory_space<hbm>>
    %dma_start3A_191 = tpu.memref_squeeze %dma_start3A_190 : memref<1x16xf32, #tpu.memory_space<hbm>> -> memref<16xf32, #tpu.memory_space<hbm>>
    %dma_start3A_192 = tpu.memref_slice %arg4[%add3A_189, %mul3A_185] : memref<1024x16000xf32, #tpu.memory_space<hbm>> -> memref<1x16xf32, #tpu.memory_space<hbm>>
    %dma_start3A_193 = tpu.memref_squeeze %dma_start3A_192 : memref<1x16xf32, #tpu.memory_space<hbm>> -> memref<16xf32, #tpu.memory_space<hbm>>
    tpu.enqueue_dma source(%arg7 : memref<16xf32, #tpu.memory_space<vmem>>) target(%dma_start3A_193 : memref<16xf32, #tpu.memory_space<hbm>>) target_semaphore(%arg8 : memref<!tpu.dma_semaphore, #tpu.memory_space<semaphore_mem>>)
    %get3A_194 = arith.constant 16 : index
    %get3A_195 = tpu.vector_load %arg6[%get3A_194] {strides = array<i32>} : memref<32xi32, #tpu.memory_space<vmem>>, vector<16xi32>,
    %get3A_196 = vector.shape_cast %get3A_195 : vector<16xi32> to vector<16xi32>
    %slice3A_197 = vector.extract_strided_slice %get3A_196 {offsets = [0], sizes = [1], strides = [1]} : vector<16xi32> to vector<1xi32>
    %squeeze3A_198 = vector.extract %slice3A_197[0] : i32 from vector<1xi32>
    %mul3A_199 = arith.constant 16 : i32
    %mul3A_200 = arith.muli %squeeze3A_198, %mul3A_199 : i32
    %add3A_201 = arith.constant 16 : i32
    %add3A_202 = arith.addi %mul3A_2, %add3A_201 : i32
    %add3A_203 = arith.constant 0 : i32
    %add3A_204 = arith.addi %add3A_202, %add3A_203 : i32
    %dma_start3A_205 = tpu.memref_slice %arg4[%add3A_204, %mul3A_200] : memref<1024x16000xf32, #tpu.memory_space<hbm>> -> memref<1x16xf32, #tpu.memory_space<hbm>>
    %dma_start3A_206 = tpu.memref_squeeze %dma_start3A_205 : memref<1x16xf32, #tpu.memory_space<hbm>> -> memref<16xf32, #tpu.memory_space<hbm>>
    %dma_start3A_207 = tpu.memref_slice %arg4[%add3A_204, %mul3A_200] : memref<1024x16000xf32, #tpu.memory_space<hbm>> -> memref<1x16xf32, #tpu.memory_space<hbm>>
    %dma_start3A_208 = tpu.memref_squeeze %dma_start3A_207 : memref<1x16xf32, #tpu.memory_space<hbm>> -> memref<16xf32, #tpu.memory_space<hbm>>
    tpu.enqueue_dma source(%arg7 : memref<16xf32, #tpu.memory_space<vmem>>) target(%dma_start3A_208 : memref<16xf32, #tpu.memory_space<hbm>>) target_semaphore(%arg8 : memref<!tpu.dma_semaphore, #tpu.memory_space<semaphore_mem>>)
    %slice3A_209 = vector.extract_strided_slice %get3A_196 {offsets = [1], sizes = [1], strides = [1]} : vector<16xi32> to vector<1xi32>
    %squeeze3A_210 = vector.extract %slice3A_209[0] : i32 from vector<1xi32>
    %mul3A_211 = arith.constant 16 : i32
    %mul3A_212 = arith.muli %squeeze3A_210, %mul3A_211 : i32
    %add3A_213 = arith.constant 16 : i32
    %add3A_214 = arith.addi %mul3A_2, %add3A_213 : i32
    %add3A_215 = arith.constant 1 : i32
    %add3A_216 = arith.addi %add3A_214, %add3A_215 : i32
    %dma_start3A_217 = tpu.memref_slice %arg4[%add3A_216, %mul3A_212] : memref<1024x16000xf32, #tpu.memory_space<hbm>> -> memref<1x16xf32, #tpu.memory_space<hbm>>
    %dma_start3A_218 = tpu.memref_squeeze %dma_start3A_217 : memref<1x16xf32, #tpu.memory_space<hbm>> -> memref<16xf32, #tpu.memory_space<hbm>>
    %dma_start3A_219 = tpu.memref_slice %arg4[%add3A_216, %mul3A_212] : memref<1024x16000xf32, #tpu.memory_space<hbm>> -> memref<1x16xf32, #tpu.memory_space<hbm>>
    %dma_start3A_220 = tpu.memref_squeeze %dma_start3A_219 : memref<1x16xf32, #tpu.memory_space<hbm>> -> memref<16xf32, #tpu.memory_space<hbm>>
    tpu.enqueue_dma source(%arg7 : memref<16xf32, #tpu.memory_space<vmem>>) target(%dma_start3A_220 : memref<16xf32, #tpu.memory_space<hbm>>) target_semaphore(%arg8 : memref<!tpu.dma_semaphore, #tpu.memory_space<semaphore_mem>>)
    %slice3A_221 = vector.extract_strided_slice %get3A_196 {offsets = [2], sizes = [1], strides = [1]} : vector<16xi32> to vector<1xi32>
    %squeeze3A_222 = vector.extract %slice3A_221[0] : i32 from vector<1xi32>
    %mul3A_223 = arith.constant 16 : i32
    %mul3A_224 = arith.muli %squeeze3A_222, %mul3A_223 : i32
    %add3A_225 = arith.constant 16 : i32
    %add3A_226 = arith.addi %mul3A_2, %add3A_225 : i32
    %add3A_227 = arith.constant 2 : i32
    %add3A_228 = arith.addi %add3A_226, %add3A_227 : i32
    %dma_start3A_229 = tpu.memref_slice %arg4[%add3A_228, %mul3A_224] : memref<1024x16000xf32, #tpu.memory_space<hbm>> -> memref<1x16xf32, #tpu.memory_space<hbm>>
    %dma_start3A_230 = tpu.memref_squeeze %dma_start3A_229 : memref<1x16xf32, #tpu.memory_space<hbm>> -> memref<16xf32, #tpu.memory_space<hbm>>
    %dma_start3A_231 = tpu.memref_slice %arg4[%add3A_228, %mul3A_224] : memref<1024x16000xf32, #tpu.memory_space<hbm>> -> memref<1x16xf32, #tpu.memory_space<hbm>>
    %dma_start3A_232 = tpu.memref_squeeze %dma_start3A_231 : memref<1x16xf32, #tpu.memory_space<hbm>> -> memref<16xf32, #tpu.memory_space<hbm>>
    tpu.enqueue_dma source(%arg7 : memref<16xf32, #tpu.memory_space<vmem>>) target(%dma_start3A_232 : memref<16xf32, #tpu.memory_space<hbm>>) target_semaphore(%arg8 : memref<!tpu.dma_semaphore, #tpu.memory_space<semaphore_mem>>)
    %slice3A_233 = vector.extract_strided_slice %get3A_196 {offsets = [3], sizes = [1], strides = [1]} : vector<16xi32> to vector<1xi32>
    %squeeze3A_234 = vector.extract %slice3A_233[0] : i32 from vector<1xi32>
    %mul3A_235 = arith.constant 16 : i32
    %mul3A_236 = arith.muli %squeeze3A_234, %mul3A_235 : i32
    %add3A_237 = arith.constant 16 : i32
    %add3A_238 = arith.addi %mul3A_2, %add3A_237 : i32
    %add3A_239 = arith.constant 3 : i32
    %add3A_240 = arith.addi %add3A_238, %add3A_239 : i32
    %dma_start3A_241 = tpu.memref_slice %arg4[%add3A_240, %mul3A_236] : memref<1024x16000xf32, #tpu.memory_space<hbm>> -> memref<1x16xf32, #tpu.memory_space<hbm>>
    %dma_start3A_242 = tpu.memref_squeeze %dma_start3A_241 : memref<1x16xf32, #tpu.memory_space<hbm>> -> memref<16xf32, #tpu.memory_space<hbm>>
    %dma_start3A_243 = tpu.memref_slice %arg4[%add3A_240, %mul3A_236] : memref<1024x16000xf32, #tpu.memory_space<hbm>> -> memref<1x16xf32, #tpu.memory_space<hbm>>
    %dma_start3A_244 = tpu.memref_squeeze %dma_start3A_243 : memref<1x16xf32, #tpu.memory_space<hbm>> -> memref<16xf32, #tpu.memory_space<hbm>>
    tpu.enqueue_dma source(%arg7 : memref<16xf32, #tpu.memory_space<vmem>>) target(%dma_start3A_244 : memref<16xf32, #tpu.memory_space<hbm>>) target_semaphore(%arg8 : memref<!tpu.dma_semaphore, #tpu.memory_space<semaphore_mem>>)
    %slice3A_245 = vector.extract_strided_slice %get3A_196 {offsets = [4], sizes = [1], strides = [1]} : vector<16xi32> to vector<1xi32>
    %squeeze3A_246 = vector.extract %slice3A_245[0] : i32 from vector<1xi32>
    %mul3A_247 = arith.constant 16 : i32
    %mul3A_248 = arith.muli %squeeze3A_246, %mul3A_247 : i32
    %add3A_249 = arith.constant 16 : i32
    %add3A_250 = arith.addi %mul3A_2, %add3A_249 : i32
    %add3A_251 = arith.constant 4 : i32
    %add3A_252 = arith.addi %add3A_250, %add3A_251 : i32
    %dma_start3A_253 = tpu.memref_slice %arg4[%add3A_252, %mul3A_248] : memref<1024x16000xf32, #tpu.memory_space<hbm>> -> memref<1x16xf32, #tpu.memory_space<hbm>>
    %dma_start3A_254 = tpu.memref_squeeze %dma_start3A_253 : memref<1x16xf32, #tpu.memory_space<hbm>> -> memref<16xf32, #tpu.memory_space<hbm>>
    %dma_start3A_255 = tpu.memref_slice %arg4[%add3A_252, %mul3A_248] : memref<1024x16000xf32, #tpu.memory_space<hbm>> -> memref<1x16xf32, #tpu.memory_space<hbm>>
    %dma_start3A_256 = tpu.memref_squeeze %dma_start3A_255 : memref<1x16xf32, #tpu.memory_space<hbm>> -> memref<16xf32, #tpu.memory_space<hbm>>
    tpu.enqueue_dma source(%arg7 : memref<16xf32, #tpu.memory_space<vmem>>) target(%dma_start3A_256 : memref<16xf32, #tpu.memory_space<hbm>>) target_semaphore(%arg8 : memref<!tpu.dma_semaphore, #tpu.memory_space<semaphore_mem>>)
    %slice3A_257 = vector.extract_strided_slice %get3A_196 {offsets = [5], sizes = [1], strides = [1]} : vector<16xi32> to vector<1xi32>
    %squeeze3A_258 = vector.extract %slice3A_257[0] : i32 from vector<1xi32>
    %mul3A_259 = arith.constant 16 : i32
    %mul3A_260 = arith.muli %squeeze3A_258, %mul3A_259 : i32
    %add3A_261 = arith.constant 16 : i32
    %add3A_262 = arith.addi %mul3A_2, %add3A_261 : i32
    %add3A_263 = arith.constant 5 : i32
    %add3A_264 = arith.addi %add3A_262, %add3A_263 : i32
    %dma_start3A_265 = tpu.memref_slice %arg4[%add3A_264, %mul3A_260] : memref<1024x16000xf32, #tpu.memory_space<hbm>> -> memref<1x16xf32, #tpu.memory_space<hbm>>
    %dma_start3A_266 = tpu.memref_squeeze %dma_start3A_265 : memref<1x16xf32, #tpu.memory_space<hbm>> -> memref<16xf32, #tpu.memory_space<hbm>>
    %dma_start3A_267 = tpu.memref_slice %arg4[%add3A_264, %mul3A_260] : memref<1024x16000xf32, #tpu.memory_space<hbm>> -> memref<1x16xf32, #tpu.memory_space<hbm>>
    %dma_start3A_268 = tpu.memref_squeeze %dma_start3A_267 : memref<1x16xf32, #tpu.memory_space<hbm>> -> memref<16xf32, #tpu.memory_space<hbm>>
    tpu.enqueue_dma source(%arg7 : memref<16xf32, #tpu.memory_space<vmem>>) target(%dma_start3A_268 : memref<16xf32, #tpu.memory_space<hbm>>) target_semaphore(%arg8 : memref<!tpu.dma_semaphore, #tpu.memory_space<semaphore_mem>>)
    %slice3A_269 = vector.extract_strided_slice %get3A_196 {offsets = [6], sizes = [1], strides = [1]} : vector<16xi32> to vector<1xi32>
    %squeeze3A_270 = vector.extract %slice3A_269[0] : i32 from vector<1xi32>
    %mul3A_271 = arith.constant 16 : i32
    %mul3A_272 = arith.muli %squeeze3A_270, %mul3A_271 : i32
    %add3A_273 = arith.constant 16 : i32
    %add3A_274 = arith.addi %mul3A_2, %add3A_273 : i32
    %add3A_275 = arith.constant 6 : i32
    %add3A_276 = arith.addi %add3A_274, %add3A_275 : i32
    %dma_start3A_277 = tpu.memref_slice %arg4[%add3A_276, %mul3A_272] : memref<1024x16000xf32, #tpu.memory_space<hbm>> -> memref<1x16xf32, #tpu.memory_space<hbm>>
    %dma_start3A_278 = tpu.memref_squeeze %dma_start3A_277 : memref<1x16xf32, #tpu.memory_space<hbm>> -> memref<16xf32, #tpu.memory_space<hbm>>
    %dma_start3A_279 = tpu.memref_slice %arg4[%add3A_276, %mul3A_272] : memref<1024x16000xf32, #tpu.memory_space<hbm>> -> memref<1x16xf32, #tpu.memory_space<hbm>>
    %dma_start3A_280 = tpu.memref_squeeze %dma_start3A_279 : memref<1x16xf32, #tpu.memory_space<hbm>> -> memref<16xf32, #tpu.memory_space<hbm>>
    tpu.enqueue_dma source(%arg7 : memref<16xf32, #tpu.memory_space<vmem>>) target(%dma_start3A_280 : memref<16xf32, #tpu.memory_space<hbm>>) target_semaphore(%arg8 : memref<!tpu.dma_semaphore, #tpu.memory_space<semaphore_mem>>)
    %slice3A_281 = vector.extract_strided_slice %get3A_196 {offsets = [7], sizes = [1], strides = [1]} : vector<16xi32> to vector<1xi32>
    %squeeze3A_282 = vector.extract %slice3A_281[0] : i32 from vector<1xi32>
    %mul3A_283 = arith.constant 16 : i32
    %mul3A_284 = arith.muli %squeeze3A_282, %mul3A_283 : i32
    %add3A_285 = arith.constant 16 : i32
    %add3A_286 = arith.addi %mul3A_2, %add3A_285 : i32
    %add3A_287 = arith.constant 7 : i32
    %add3A_288 = arith.addi %add3A_286, %add3A_287 : i32
    %dma_start3A_289 = tpu.memref_slice %arg4[%add3A_288, %mul3A_284] : memref<1024x16000xf32, #tpu.memory_space<hbm>> -> memref<1x16xf32, #tpu.memory_space<hbm>>
    %dma_start3A_290 = tpu.memref_squeeze %dma_start3A_289 : memref<1x16xf32, #tpu.memory_space<hbm>> -> memref<16xf32, #tpu.memory_space<hbm>>
    %dma_start3A_291 = tpu.memref_slice %arg4[%add3A_288, %mul3A_284] : memref<1024x16000xf32, #tpu.memory_space<hbm>> -> memref<1x16xf32, #tpu.memory_space<hbm>>
    %dma_start3A_292 = tpu.memref_squeeze %dma_start3A_291 : memref<1x16xf32, #tpu.memory_space<hbm>> -> memref<16xf32, #tpu.memory_space<hbm>>
    tpu.enqueue_dma source(%arg7 : memref<16xf32, #tpu.memory_space<vmem>>) target(%dma_start3A_292 : memref<16xf32, #tpu.memory_space<hbm>>) target_semaphore(%arg8 : memref<!tpu.dma_semaphore, #tpu.memory_space<semaphore_mem>>)
    %slice3A_293 = vector.extract_strided_slice %get3A_196 {offsets = [8], sizes = [1], strides = [1]} : vector<16xi32> to vector<1xi32>
    %squeeze3A_294 = vector.extract %slice3A_293[0] : i32 from vector<1xi32>
    %mul3A_295 = arith.constant 16 : i32
    %mul3A_296 = arith.muli %squeeze3A_294, %mul3A_295 : i32
    %add3A_297 = arith.constant 16 : i32
    %add3A_298 = arith.addi %mul3A_2, %add3A_297 : i32
    %add3A_299 = arith.constant 8 : i32
    %add3A_300 = arith.addi %add3A_298, %add3A_299 : i32
    %dma_start3A_301 = tpu.memref_slice %arg4[%add3A_300, %mul3A_296] : memref<1024x16000xf32, #tpu.memory_space<hbm>> -> memref<1x16xf32, #tpu.memory_space<hbm>>
    %dma_start3A_302 = tpu.memref_squeeze %dma_start3A_301 : memref<1x16xf32, #tpu.memory_space<hbm>> -> memref<16xf32, #tpu.memory_space<hbm>>
    %dma_start3A_303 = tpu.memref_slice %arg4[%add3A_300, %mul3A_296] : memref<1024x16000xf32, #tpu.memory_space<hbm>> -> memref<1x16xf32, #tpu.memory_space<hbm>>
    %dma_start3A_304 = tpu.memref_squeeze %dma_start3A_303 : memref<1x16xf32, #tpu.memory_space<hbm>> -> memref<16xf32, #tpu.memory_space<hbm>>
    tpu.enqueue_dma source(%arg7 : memref<16xf32, #tpu.memory_space<vmem>>) target(%dma_start3A_304 : memref<16xf32, #tpu.memory_space<hbm>>) target_semaphore(%arg8 : memref<!tpu.dma_semaphore, #tpu.memory_space<semaphore_mem>>)
    %slice3A_305 = vector.extract_strided_slice %get3A_196 {offsets = [9], sizes = [1], strides = [1]} : vector<16xi32> to vector<1xi32>
    %squeeze3A_306 = vector.extract %slice3A_305[0] : i32 from vector<1xi32>
    %mul3A_307 = arith.constant 16 : i32
    %mul3A_308 = arith.muli %squeeze3A_306, %mul3A_307 : i32
    %add3A_309 = arith.constant 16 : i32
    %add3A_310 = arith.addi %mul3A_2, %add3A_309 : i32
    %add3A_311 = arith.constant 9 : i32
    %add3A_312 = arith.addi %add3A_310, %add3A_311 : i32
    %dma_start3A_313 = tpu.memref_slice %arg4[%add3A_312, %mul3A_308] : memref<1024x16000xf32, #tpu.memory_space<hbm>> -> memref<1x16xf32, #tpu.memory_space<hbm>>
    %dma_start3A_314 = tpu.memref_squeeze %dma_start3A_313 : memref<1x16xf32, #tpu.memory_space<hbm>> -> memref<16xf32, #tpu.memory_space<hbm>>
    %dma_start3A_315 = tpu.memref_slice %arg4[%add3A_312, %mul3A_308] : memref<1024x16000xf32, #tpu.memory_space<hbm>> -> memref<1x16xf32, #tpu.memory_space<hbm>>
    %dma_start3A_316 = tpu.memref_squeeze %dma_start3A_315 : memref<1x16xf32, #tpu.memory_space<hbm>> -> memref<16xf32, #tpu.memory_space<hbm>>
    tpu.enqueue_dma source(%arg7 : memref<16xf32, #tpu.memory_space<vmem>>) target(%dma_start3A_316 : memref<16xf32, #tpu.memory_space<hbm>>) target_semaphore(%arg8 : memref<!tpu.dma_semaphore, #tpu.memory_space<semaphore_mem>>)
    %slice3A_317 = vector.extract_strided_slice %get3A_196 {offsets = [10], sizes = [1], strides = [1]} : vector<16xi32> to vector<1xi32>
    %squeeze3A_318 = vector.extract %slice3A_317[0] : i32 from vector<1xi32>
    %mul3A_319 = arith.constant 16 : i32
    %mul3A_320 = arith.muli %squeeze3A_318, %mul3A_319 : i32
    %add3A_321 = arith.constant 16 : i32
    %add3A_322 = arith.addi %mul3A_2, %add3A_321 : i32
    %add3A_323 = arith.constant 10 : i32
    %add3A_324 = arith.addi %add3A_322, %add3A_323 : i32
    %dma_start3A_325 = tpu.memref_slice %arg4[%add3A_324, %mul3A_320] : memref<1024x16000xf32, #tpu.memory_space<hbm>> -> memref<1x16xf32, #tpu.memory_space<hbm>>
    %dma_start3A_326 = tpu.memref_squeeze %dma_start3A_325 : memref<1x16xf32, #tpu.memory_space<hbm>> -> memref<16xf32, #tpu.memory_space<hbm>>
    %dma_start3A_327 = tpu.memref_slice %arg4[%add3A_324, %mul3A_320] : memref<1024x16000xf32, #tpu.memory_space<hbm>> -> memref<1x16xf32, #tpu.memory_space<hbm>>
    %dma_start3A_328 = tpu.memref_squeeze %dma_start3A_327 : memref<1x16xf32, #tpu.memory_space<hbm>> -> memref<16xf32, #tpu.memory_space<hbm>>
    tpu.enqueue_dma source(%arg7 : memref<16xf32, #tpu.memory_space<vmem>>) target(%dma_start3A_328 : memref<16xf32, #tpu.memory_space<hbm>>) target_semaphore(%arg8 : memref<!tpu.dma_semaphore, #tpu.memory_space<semaphore_mem>>)
    %slice3A_329 = vector.extract_strided_slice %get3A_196 {offsets = [11], sizes = [1], strides = [1]} : vector<16xi32> to vector<1xi32>
    %squeeze3A_330 = vector.extract %slice3A_329[0] : i32 from vector<1xi32>
    %mul3A_331 = arith.constant 16 : i32
    %mul3A_332 = arith.muli %squeeze3A_330, %mul3A_331 : i32
    %add3A_333 = arith.constant 16 : i32
    %add3A_334 = arith.addi %mul3A_2, %add3A_333 : i32
    %add3A_335 = arith.constant 11 : i32
    %add3A_336 = arith.addi %add3A_334, %add3A_335 : i32
    %dma_start3A_337 = tpu.memref_slice %arg4[%add3A_336, %mul3A_332] : memref<1024x16000xf32, #tpu.memory_space<hbm>> -> memref<1x16xf32, #tpu.memory_space<hbm>>
    %dma_start3A_338 = tpu.memref_squeeze %dma_start3A_337 : memref<1x16xf32, #tpu.memory_space<hbm>> -> memref<16xf32, #tpu.memory_space<hbm>>
    %dma_start3A_339 = tpu.memref_slice %arg4[%add3A_336, %mul3A_332] : memref<1024x16000xf32, #tpu.memory_space<hbm>> -> memref<1x16xf32, #tpu.memory_space<hbm>>
    %dma_start3A_340 = tpu.memref_squeeze %dma_start3A_339 : memref<1x16xf32, #tpu.memory_space<hbm>> -> memref<16xf32, #tpu.memory_space<hbm>>
    tpu.enqueue_dma source(%arg7 : memref<16xf32, #tpu.memory_space<vmem>>) target(%dma_start3A_340 : memref<16xf32, #tpu.memory_space<hbm>>) target_semaphore(%arg8 : memref<!tpu.dma_semaphore, #tpu.memory_space<semaphore_mem>>)
    %slice3A_341 = vector.extract_strided_slice %get3A_196 {offsets = [12], sizes = [1], strides = [1]} : vector<16xi32> to vector<1xi32>
    %squeeze3A_342 = vector.extract %slice3A_341[0] : i32 from vector<1xi32>
    %mul3A_343 = arith.constant 16 : i32
    %mul3A_344 = arith.muli %squeeze3A_342, %mul3A_343 : i32
    %add3A_345 = arith.constant 16 : i32
    %add3A_346 = arith.addi %mul3A_2, %add3A_345 : i32
    %add3A_347 = arith.constant 12 : i32
    %add3A_348 = arith.addi %add3A_346, %add3A_347 : i32
    %dma_start3A_349 = tpu.memref_slice %arg4[%add3A_348, %mul3A_344] : memref<1024x16000xf32, #tpu.memory_space<hbm>> -> memref<1x16xf32, #tpu.memory_space<hbm>>
    %dma_start3A_350 = tpu.memref_squeeze %dma_start3A_349 : memref<1x16xf32, #tpu.memory_space<hbm>> -> memref<16xf32, #tpu.memory_space<hbm>>
    %dma_start3A_351 = tpu.memref_slice %arg4[%add3A_348, %mul3A_344] : memref<1024x16000xf32, #tpu.memory_space<hbm>> -> memref<1x16xf32, #tpu.memory_space<hbm>>
    %dma_start3A_352 = tpu.memref_squeeze %dma_start3A_351 : memref<1x16xf32, #tpu.memory_space<hbm>> -> memref<16xf32, #tpu.memory_space<hbm>>
    tpu.enqueue_dma source(%arg7 : memref<16xf32, #tpu.memory_space<vmem>>) target(%dma_start3A_352 : memref<16xf32, #tpu.memory_space<hbm>>) target_semaphore(%arg8 : memref<!tpu.dma_semaphore, #tpu.memory_space<semaphore_mem>>)
    %slice3A_353 = vector.extract_strided_slice %get3A_196 {offsets = [13], sizes = [1], strides = [1]} : vector<16xi32> to vector<1xi32>
    %squeeze3A_354 = vector.extract %slice3A_353[0] : i32 from vector<1xi32>
    %mul3A_355 = arith.constant 16 : i32
    %mul3A_356 = arith.muli %squeeze3A_354, %mul3A_355 : i32
    %add3A_357 = arith.constant 16 : i32
    %add3A_358 = arith.addi %mul3A_2, %add3A_357 : i32
    %add3A_359 = arith.constant 13 : i32
    %add3A_360 = arith.addi %add3A_358, %add3A_359 : i32
    %dma_start3A_361 = tpu.memref_slice %arg4[%add3A_360, %mul3A_356] : memref<1024x16000xf32, #tpu.memory_space<hbm>> -> memref<1x16xf32, #tpu.memory_space<hbm>>
    %dma_start3A_362 = tpu.memref_squeeze %dma_start3A_361 : memref<1x16xf32, #tpu.memory_space<hbm>> -> memref<16xf32, #tpu.memory_space<hbm>>
    %dma_start3A_363 = tpu.memref_slice %arg4[%add3A_360, %mul3A_356] : memref<1024x16000xf32, #tpu.memory_space<hbm>> -> memref<1x16xf32, #tpu.memory_space<hbm>>
    %dma_start3A_364 = tpu.memref_squeeze %dma_start3A_363 : memref<1x16xf32, #tpu.memory_space<hbm>> -> memref<16xf32, #tpu.memory_space<hbm>>
    tpu.enqueue_dma source(%arg7 : memref<16xf32, #tpu.memory_space<vmem>>) target(%dma_start3A_364 : memref<16xf32, #tpu.memory_space<hbm>>) target_semaphore(%arg8 : memref<!tpu.dma_semaphore, #tpu.memory_space<semaphore_mem>>)
    %slice3A_365 = vector.extract_strided_slice %get3A_196 {offsets = [14], sizes = [1], strides = [1]} : vector<16xi32> to vector<1xi32>
    %squeeze3A_366 = vector.extract %slice3A_365[0] : i32 from vector<1xi32>
    %mul3A_367 = arith.constant 16 : i32
    %mul3A_368 = arith.muli %squeeze3A_366, %mul3A_367 : i32
    %add3A_369 = arith.constant 16 : i32
    %add3A_370 = arith.addi %mul3A_2, %add3A_369 : i32
    %add3A_371 = arith.constant 14 : i32
    %add3A_372 = arith.addi %add3A_370, %add3A_371 : i32
    %dma_start3A_373 = tpu.memref_slice %arg4[%add3A_372, %mul3A_368] : memref<1024x16000xf32, #tpu.memory_space<hbm>> -> memref<1x16xf32, #tpu.memory_space<hbm>>
    %dma_start3A_374 = tpu.memref_squeeze %dma_start3A_373 : memref<1x16xf32, #tpu.memory_space<hbm>> -> memref<16xf32, #tpu.memory_space<hbm>>
    %dma_start3A_375 = tpu.memref_slice %arg4[%add3A_372, %mul3A_368] : memref<1024x16000xf32, #tpu.memory_space<hbm>> -> memref<1x16xf32, #tpu.memory_space<hbm>>
    %dma_start3A_376 = tpu.memref_squeeze %dma_start3A_375 : memref<1x16xf32, #tpu.memory_space<hbm>> -> memref<16xf32, #tpu.memory_space<hbm>>
    tpu.enqueue_dma source(%arg7 : memref<16xf32, #tpu.memory_space<vmem>>) target(%dma_start3A_376 : memref<16xf32, #tpu.memory_space<hbm>>) target_semaphore(%arg8 : memref<!tpu.dma_semaphore, #tpu.memory_space<semaphore_mem>>)
    %slice3A_377 = vector.extract_strided_slice %get3A_196 {offsets = [15], sizes = [1], strides = [1]} : vector<16xi32> to vector<1xi32>
    %squeeze3A_378 = vector.extract %slice3A_377[0] : i32 from vector<1xi32>
    %mul3A_379 = arith.constant 16 : i32
    %mul3A_380 = arith.muli %squeeze3A_378, %mul3A_379 : i32
    %add3A_381 = arith.constant 16 : i32
    %add3A_382 = arith.addi %mul3A_2, %add3A_381 : i32
    %add3A_383 = arith.constant 15 : i32
    %add3A_384 = arith.addi %add3A_382, %add3A_383 : i32
    %dma_start3A_385 = tpu.memref_slice %arg4[%add3A_384, %mul3A_380] : memref<1024x16000xf32, #tpu.memory_space<hbm>> -> memref<1x16xf32, #tpu.memory_space<hbm>>
    %dma_start3A_386 = tpu.memref_squeeze %dma_start3A_385 : memref<1x16xf32, #tpu.memory_space<hbm>> -> memref<16xf32, #tpu.memory_space<hbm>>
    %dma_start3A_387 = tpu.memref_slice %arg4[%add3A_384, %mul3A_380] : memref<1024x16000xf32, #tpu.memory_space<hbm>> -> memref<1x16xf32, #tpu.memory_space<hbm>>
    %dma_start3A_388 = tpu.memref_squeeze %dma_start3A_387 : memref<1x16xf32, #tpu.memory_space<hbm>> -> memref<16xf32, #tpu.memory_space<hbm>>
    tpu.enqueue_dma source(%arg7 : memref<16xf32, #tpu.memory_space<vmem>>) target(%dma_start3A_388 : memref<16xf32, #tpu.memory_space<hbm>>) target_semaphore(%arg8 : memref<!tpu.dma_semaphore, #tpu.memory_space<semaphore_mem>>)
    %dma_wait3A = tpu.memref_slice %arg4[%add3A_10, %mul3A_6] : memref<1024x16000xf32, #tpu.memory_space<hbm>> -> memref<1x16xf32, #tpu.memory_space<hbm>>
    %dma_wait3A_389 = tpu.memref_squeeze %dma_wait3A : memref<1x16xf32, #tpu.memory_space<hbm>> -> memref<16xf32, #tpu.memory_space<hbm>>
    %dma_wait3A_390 = tpu.memref_slice %arg4[%add3A_10, %mul3A_6] : memref<1024x16000xf32, #tpu.memory_space<hbm>> -> memref<1x16xf32, #tpu.memory_space<hbm>>
    %dma_wait3A_391 = tpu.memref_squeeze %dma_wait3A_390 : memref<1x16xf32, #tpu.memory_space<hbm>> -> memref<16xf32, #tpu.memory_space<hbm>>
    tpu.wait_dma2 semaphore(%arg8 : memref<!tpu.dma_semaphore, #tpu.memory_space<semaphore_mem>>) src(%arg7 : memref<16xf32, #tpu.memory_space<vmem>>) dst(%dma_wait3A_391 : memref<16xf32, #tpu.memory_space<hbm>>)
    %dma_wait3A_392 = tpu.memref_slice %arg4[%add3A_21, %mul3A_17] : memref<1024x16000xf32, #tpu.memory_space<hbm>> -> memref<1x16xf32, #tpu.memory_space<hbm>>
    %dma_wait3A_393 = tpu.memref_squeeze %dma_wait3A_392 : memref<1x16xf32, #tpu.memory_space<hbm>> -> memref<16xf32, #tpu.memory_space<hbm>>
    %dma_wait3A_394 = tpu.memref_slice %arg4[%add3A_21, %mul3A_17] : memref<1024x16000xf32, #tpu.memory_space<hbm>> -> memref<1x16xf32, #tpu.memory_space<hbm>>
    %dma_wait3A_395 = tpu.memref_squeeze %dma_wait3A_394 : memref<1x16xf32, #tpu.memory_space<hbm>> -> memref<16xf32, #tpu.memory_space<hbm>>
    tpu.wait_dma2 semaphore(%arg8 : memref<!tpu.dma_semaphore, #tpu.memory_space<semaphore_mem>>) src(%arg7 : memref<16xf32, #tpu.memory_space<vmem>>) dst(%dma_wait3A_395 : memref<16xf32, #tpu.memory_space<hbm>>)
    %dma_wait3A_396 = tpu.memref_slice %arg4[%add3A_33, %mul3A_29] : memref<1024x16000xf32, #tpu.memory_space<hbm>> -> memref<1x16xf32, #tpu.memory_space<hbm>>
    %dma_wait3A_397 = tpu.memref_squeeze %dma_wait3A_396 : memref<1x16xf32, #tpu.memory_space<hbm>> -> memref<16xf32, #tpu.memory_space<hbm>>
    %dma_wait3A_398 = tpu.memref_slice %arg4[%add3A_33, %mul3A_29] : memref<1024x16000xf32, #tpu.memory_space<hbm>> -> memref<1x16xf32, #tpu.memory_space<hbm>>
    %dma_wait3A_399 = tpu.memref_squeeze %dma_wait3A_398 : memref<1x16xf32, #tpu.memory_space<hbm>> -> memref<16xf32, #tpu.memory_space<hbm>>
    tpu.wait_dma2 semaphore(%arg8 : memref<!tpu.dma_semaphore, #tpu.memory_space<semaphore_mem>>) src(%arg7 : memref<16xf32, #tpu.memory_space<vmem>>) dst(%dma_wait3A_399 : memref<16xf32, #tpu.memory_space<hbm>>)
    %dma_wait3A_400 = tpu.memref_slice %arg4[%add3A_45, %mul3A_41] : memref<1024x16000xf32, #tpu.memory_space<hbm>> -> memref<1x16xf32, #tpu.memory_space<hbm>>
    %dma_wait3A_401 = tpu.memref_squeeze %dma_wait3A_400 : memref<1x16xf32, #tpu.memory_space<hbm>> -> memref<16xf32, #tpu.memory_space<hbm>>
    %dma_wait3A_402 = tpu.memref_slice %arg4[%add3A_45, %mul3A_41] : memref<1024x16000xf32, #tpu.memory_space<hbm>> -> memref<1x16xf32, #tpu.memory_space<hbm>>
    %dma_wait3A_403 = tpu.memref_squeeze %dma_wait3A_402 : memref<1x16xf32, #tpu.memory_space<hbm>> -> memref<16xf32, #tpu.memory_space<hbm>>
    tpu.wait_dma2 semaphore(%arg8 : memref<!tpu.dma_semaphore, #tpu.memory_space<semaphore_mem>>) src(%arg7 : memref<16xf32, #tpu.memory_space<vmem>>) dst(%dma_wait3A_403 : memref<16xf32, #tpu.memory_space<hbm>>)
    %dma_wait3A_404 = tpu.memref_slice %arg4[%add3A_57, %mul3A_53] : memref<1024x16000xf32, #tpu.memory_space<hbm>> -> memref<1x16xf32, #tpu.memory_space<hbm>>
    %dma_wait3A_405 = tpu.memref_squeeze %dma_wait3A_404 : memref<1x16xf32, #tpu.memory_space<hbm>> -> memref<16xf32, #tpu.memory_space<hbm>>
    %dma_wait3A_406 = tpu.memref_slice %arg4[%add3A_57, %mul3A_53] : memref<1024x16000xf32, #tpu.memory_space<hbm>> -> memref<1x16xf32, #tpu.memory_space<hbm>>
    %dma_wait3A_407 = tpu.memref_squeeze %dma_wait3A_406 : memref<1x16xf32, #tpu.memory_space<hbm>> -> memref<16xf32, #tpu.memory_space<hbm>>
    tpu.wait_dma2 semaphore(%arg8 : memref<!tpu.dma_semaphore, #tpu.memory_space<semaphore_mem>>) src(%arg7 : memref<16xf32, #tpu.memory_space<vmem>>) dst(%dma_wait3A_407 : memref<16xf32, #tpu.memory_space<hbm>>)
    %dma_wait3A_408 = tpu.memref_slice %arg4[%add3A_69, %mul3A_65] : memref<1024x16000xf32, #tpu.memory_space<hbm>> -> memref<1x16xf32, #tpu.memory_space<hbm>>
    %dma_wait3A_409 = tpu.memref_squeeze %dma_wait3A_408 : memref<1x16xf32, #tpu.memory_space<hbm>> -> memref<16xf32, #tpu.memory_space<hbm>>
    %dma_wait3A_410 = tpu.memref_slice %arg4[%add3A_69, %mul3A_65] : memref<1024x16000xf32, #tpu.memory_space<hbm>> -> memref<1x16xf32, #tpu.memory_space<hbm>>
    %dma_wait3A_411 = tpu.memref_squeeze %dma_wait3A_410 : memref<1x16xf32, #tpu.memory_space<hbm>> -> memref<16xf32, #tpu.memory_space<hbm>>
    tpu.wait_dma2 semaphore(%arg8 : memref<!tpu.dma_semaphore, #tpu.memory_space<semaphore_mem>>) src(%arg7 : memref<16xf32, #tpu.memory_space<vmem>>) dst(%dma_wait3A_411 : memref<16xf32, #tpu.memory_space<hbm>>)
    %dma_wait3A_412 = tpu.memref_slice %arg4[%add3A_81, %mul3A_77] : memref<1024x16000xf32, #tpu.memory_space<hbm>> -> memref<1x16xf32, #tpu.memory_space<hbm>>
    %dma_wait3A_413 = tpu.memref_squeeze %dma_wait3A_412 : memref<1x16xf32, #tpu.memory_space<hbm>> -> memref<16xf32, #tpu.memory_space<hbm>>
    %dma_wait3A_414 = tpu.memref_slice %arg4[%add3A_81, %mul3A_77] : memref<1024x16000xf32, #tpu.memory_space<hbm>> -> memref<1x16xf32, #tpu.memory_space<hbm>>
    %dma_wait3A_415 = tpu.memref_squeeze %dma_wait3A_414 : memref<1x16xf32, #tpu.memory_space<hbm>> -> memref<16xf32, #tpu.memory_space<hbm>>
    tpu.wait_dma2 semaphore(%arg8 : memref<!tpu.dma_semaphore, #tpu.memory_space<semaphore_mem>>) src(%arg7 : memref<16xf32, #tpu.memory_space<vmem>>) dst(%dma_wait3A_415 : memref<16xf32, #tpu.memory_space<hbm>>)
    %dma_wait3A_416 = tpu.memref_slice %arg4[%add3A_93, %mul3A_89] : memref<1024x16000xf32, #tpu.memory_space<hbm>> -> memref<1x16xf32, #tpu.memory_space<hbm>>
    %dma_wait3A_417 = tpu.memref_squeeze %dma_wait3A_416 : memref<1x16xf32, #tpu.memory_space<hbm>> -> memref<16xf32, #tpu.memory_space<hbm>>
    %dma_wait3A_418 = tpu.memref_slice %arg4[%add3A_93, %mul3A_89] : memref<1024x16000xf32, #tpu.memory_space<hbm>> -> memref<1x16xf32, #tpu.memory_space<hbm>>
    %dma_wait3A_419 = tpu.memref_squeeze %dma_wait3A_418 : memref<1x16xf32, #tpu.memory_space<hbm>> -> memref<16xf32, #tpu.memory_space<hbm>>
    tpu.wait_dma2 semaphore(%arg8 : memref<!tpu.dma_semaphore, #tpu.memory_space<semaphore_mem>>) src(%arg7 : memref<16xf32, #tpu.memory_space<vmem>>) dst(%dma_wait3A_419 : memref<16xf32, #tpu.memory_space<hbm>>)
    %dma_wait3A_420 = tpu.memref_slice %arg4[%add3A_105, %mul3A_101] : memref<1024x16000xf32, #tpu.memory_space<hbm>> -> memref<1x16xf32, #tpu.memory_space<hbm>>
    %dma_wait3A_421 = tpu.memref_squeeze %dma_wait3A_420 : memref<1x16xf32, #tpu.memory_space<hbm>> -> memref<16xf32, #tpu.memory_space<hbm>>
    %dma_wait3A_422 = tpu.memref_slice %arg4[%add3A_105, %mul3A_101] : memref<1024x16000xf32, #tpu.memory_space<hbm>> -> memref<1x16xf32, #tpu.memory_space<hbm>>
    %dma_wait3A_423 = tpu.memref_squeeze %dma_wait3A_422 : memref<1x16xf32, #tpu.memory_space<hbm>> -> memref<16xf32, #tpu.memory_space<hbm>>
    tpu.wait_dma2 semaphore(%arg8 : memref<!tpu.dma_semaphore, #tpu.memory_space<semaphore_mem>>) src(%arg7 : memref<16xf32, #tpu.memory_space<vmem>>) dst(%dma_wait3A_423 : memref<16xf32, #tpu.memory_space<hbm>>)
    %dma_wait3A_424 = tpu.memref_slice %arg4[%add3A_117, %mul3A_113] : memref<1024x16000xf32, #tpu.memory_space<hbm>> -> memref<1x16xf32, #tpu.memory_space<hbm>>
    %dma_wait3A_425 = tpu.memref_squeeze %dma_wait3A_424 : memref<1x16xf32, #tpu.memory_space<hbm>> -> memref<16xf32, #tpu.memory_space<hbm>>
    %dma_wait3A_426 = tpu.memref_slice %arg4[%add3A_117, %mul3A_113] : memref<1024x16000xf32, #tpu.memory_space<hbm>> -> memref<1x16xf32, #tpu.memory_space<hbm>>
    %dma_wait3A_427 = tpu.memref_squeeze %dma_wait3A_426 : memref<1x16xf32, #tpu.memory_space<hbm>> -> memref<16xf32, #tpu.memory_space<hbm>>
    tpu.wait_dma2 semaphore(%arg8 : memref<!tpu.dma_semaphore, #tpu.memory_space<semaphore_mem>>) src(%arg7 : memref<16xf32, #tpu.memory_space<vmem>>) dst(%dma_wait3A_427 : memref<16xf32, #tpu.memory_space<hbm>>)
    %dma_wait3A_428 = tpu.memref_slice %arg4[%add3A_129, %mul3A_125] : memref<1024x16000xf32, #tpu.memory_space<hbm>> -> memref<1x16xf32, #tpu.memory_space<hbm>>
    %dma_wait3A_429 = tpu.memref_squeeze %dma_wait3A_428 : memref<1x16xf32, #tpu.memory_space<hbm>> -> memref<16xf32, #tpu.memory_space<hbm>>
    %dma_wait3A_430 = tpu.memref_slice %arg4[%add3A_129, %mul3A_125] : memref<1024x16000xf32, #tpu.memory_space<hbm>> -> memref<1x16xf32, #tpu.memory_space<hbm>>
    %dma_wait3A_431 = tpu.memref_squeeze %dma_wait3A_430 : memref<1x16xf32, #tpu.memory_space<hbm>> -> memref<16xf32, #tpu.memory_space<hbm>>
    tpu.wait_dma2 semaphore(%arg8 : memref<!tpu.dma_semaphore, #tpu.memory_space<semaphore_mem>>) src(%arg7 : memref<16xf32, #tpu.memory_space<vmem>>) dst(%dma_wait3A_431 : memref<16xf32, #tpu.memory_space<hbm>>)
    %dma_wait3A_432 = tpu.memref_slice %arg4[%add3A_141, %mul3A_137] : memref<1024x16000xf32, #tpu.memory_space<hbm>> -> memref<1x16xf32, #tpu.memory_space<hbm>>
    %dma_wait3A_433 = tpu.memref_squeeze %dma_wait3A_432 : memref<1x16xf32, #tpu.memory_space<hbm>> -> memref<16xf32, #tpu.memory_space<hbm>>
    %dma_wait3A_434 = tpu.memref_slice %arg4[%add3A_141, %mul3A_137] : memref<1024x16000xf32, #tpu.memory_space<hbm>> -> memref<1x16xf32, #tpu.memory_space<hbm>>
    %dma_wait3A_435 = tpu.memref_squeeze %dma_wait3A_434 : memref<1x16xf32, #tpu.memory_space<hbm>> -> memref<16xf32, #tpu.memory_space<hbm>>
    tpu.wait_dma2 semaphore(%arg8 : memref<!tpu.dma_semaphore, #tpu.memory_space<semaphore_mem>>) src(%arg7 : memref<16xf32, #tpu.memory_space<vmem>>) dst(%dma_wait3A_435 : memref<16xf32, #tpu.memory_space<hbm>>)
    %dma_wait3A_436 = tpu.memref_slice %arg4[%add3A_153, %mul3A_149] : memref<1024x16000xf32, #tpu.memory_space<hbm>> -> memref<1x16xf32, #tpu.memory_space<hbm>>
    %dma_wait3A_437 = tpu.memref_squeeze %dma_wait3A_436 : memref<1x16xf32, #tpu.memory_space<hbm>> -> memref<16xf32, #tpu.memory_space<hbm>>
    %dma_wait3A_438 = tpu.memref_slice %arg4[%add3A_153, %mul3A_149] : memref<1024x16000xf32, #tpu.memory_space<hbm>> -> memref<1x16xf32, #tpu.memory_space<hbm>>
    %dma_wait3A_439 = tpu.memref_squeeze %dma_wait3A_438 : memref<1x16xf32, #tpu.memory_space<hbm>> -> memref<16xf32, #tpu.memory_space<hbm>>
    tpu.wait_dma2 semaphore(%arg8 : memref<!tpu.dma_semaphore, #tpu.memory_space<semaphore_mem>>) src(%arg7 : memref<16xf32, #tpu.memory_space<vmem>>) dst(%dma_wait3A_439 : memref<16xf32, #tpu.memory_space<hbm>>)
    %dma_wait3A_440 = tpu.memref_slice %arg4[%add3A_165, %mul3A_161] : memref<1024x16000xf32, #tpu.memory_space<hbm>> -> memref<1x16xf32, #tpu.memory_space<hbm>>
    %dma_wait3A_441 = tpu.memref_squeeze %dma_wait3A_440 : memref<1x16xf32, #tpu.memory_space<hbm>> -> memref<16xf32, #tpu.memory_space<hbm>>
    %dma_wait3A_442 = tpu.memref_slice %arg4[%add3A_165, %mul3A_161] : memref<1024x16000xf32, #tpu.memory_space<hbm>> -> memref<1x16xf32, #tpu.memory_space<hbm>>
    %dma_wait3A_443 = tpu.memref_squeeze %dma_wait3A_442 : memref<1x16xf32, #tpu.memory_space<hbm>> -> memref<16xf32, #tpu.memory_space<hbm>>
    tpu.wait_dma2 semaphore(%arg8 : memref<!tpu.dma_semaphore, #tpu.memory_space<semaphore_mem>>) src(%arg7 : memref<16xf32, #tpu.memory_space<vmem>>) dst(%dma_wait3A_443 : memref<16xf32, #tpu.memory_space<hbm>>)
    %dma_wait3A_444 = tpu.memref_slice %arg4[%add3A_177, %mul3A_173] : memref<1024x16000xf32, #tpu.memory_space<hbm>> -> memref<1x16xf32, #tpu.memory_space<hbm>>
    %dma_wait3A_445 = tpu.memref_squeeze %dma_wait3A_444 : memref<1x16xf32, #tpu.memory_space<hbm>> -> memref<16xf32, #tpu.memory_space<hbm>>
    %dma_wait3A_446 = tpu.memref_slice %arg4[%add3A_177, %mul3A_173] : memref<1024x16000xf32, #tpu.memory_space<hbm>> -> memref<1x16xf32, #tpu.memory_space<hbm>>
    %dma_wait3A_447 = tpu.memref_squeeze %dma_wait3A_446 : memref<1x16xf32, #tpu.memory_space<hbm>> -> memref<16xf32, #tpu.memory_space<hbm>>
    tpu.wait_dma2 semaphore(%arg8 : memref<!tpu.dma_semaphore, #tpu.memory_space<semaphore_mem>>) src(%arg7 : memref<16xf32, #tpu.memory_space<vmem>>) dst(%dma_wait3A_447 : memref<16xf32, #tpu.memory_space<hbm>>)
    %dma_wait3A_448 = tpu.memref_slice %arg4[%add3A_189, %mul3A_185] : memref<1024x16000xf32, #tpu.memory_space<hbm>> -> memref<1x16xf32, #tpu.memory_space<hbm>>
    %dma_wait3A_449 = tpu.memref_squeeze %dma_wait3A_448 : memref<1x16xf32, #tpu.memory_space<hbm>> -> memref<16xf32, #tpu.memory_space<hbm>>
    %dma_wait3A_450 = tpu.memref_slice %arg4[%add3A_189, %mul3A_185] : memref<1024x16000xf32, #tpu.memory_space<hbm>> -> memref<1x16xf32, #tpu.memory_space<hbm>>
    %dma_wait3A_451 = tpu.memref_squeeze %dma_wait3A_450 : memref<1x16xf32, #tpu.memory_space<hbm>> -> memref<16xf32, #tpu.memory_space<hbm>>
    tpu.wait_dma2 semaphore(%arg8 : memref<!tpu.dma_semaphore, #tpu.memory_space<semaphore_mem>>) src(%arg7 : memref<16xf32, #tpu.memory_space<vmem>>) dst(%dma_wait3A_451 : memref<16xf32, #tpu.memory_space<hbm>>)
    %dma_wait3A_452 = tpu.memref_slice %arg4[%add3A_204, %mul3A_200] : memref<1024x16000xf32, #tpu.memory_space<hbm>> -> memref<1x16xf32, #tpu.memory_space<hbm>>
    %dma_wait3A_453 = tpu.memref_squeeze %dma_wait3A_452 : memref<1x16xf32, #tpu.memory_space<hbm>> -> memref<16xf32, #tpu.memory_space<hbm>>
    %dma_wait3A_454 = tpu.memref_slice %arg4[%add3A_204, %mul3A_200] : memref<1024x16000xf32, #tpu.memory_space<hbm>> -> memref<1x16xf32, #tpu.memory_space<hbm>>
    %dma_wait3A_455 = tpu.memref_squeeze %dma_wait3A_454 : memref<1x16xf32, #tpu.memory_space<hbm>> -> memref<16xf32, #tpu.memory_space<hbm>>
    tpu.wait_dma2 semaphore(%arg8 : memref<!tpu.dma_semaphore, #tpu.memory_space<semaphore_mem>>) src(%arg7 : memref<16xf32, #tpu.memory_space<vmem>>) dst(%dma_wait3A_455 : memref<16xf32, #tpu.memory_space<hbm>>)
    %dma_wait3A_456 = tpu.memref_slice %arg4[%add3A_216, %mul3A_212] : memref<1024x16000xf32, #tpu.memory_space<hbm>> -> memref<1x16xf32, #tpu.memory_space<hbm>>
    %dma_wait3A_457 = tpu.memref_squeeze %dma_wait3A_456 : memref<1x16xf32, #tpu.memory_space<hbm>> -> memref<16xf32, #tpu.memory_space<hbm>>
    %dma_wait3A_458 = tpu.memref_slice %arg4[%add3A_216, %mul3A_212] : memref<1024x16000xf32, #tpu.memory_space<hbm>> -> memref<1x16xf32, #tpu.memory_space<hbm>>
    %dma_wait3A_459 = tpu.memref_squeeze %dma_wait3A_458 : memref<1x16xf32, #tpu.memory_space<hbm>> -> memref<16xf32, #tpu.memory_space<hbm>>
    tpu.wait_dma2 semaphore(%arg8 : memref<!tpu.dma_semaphore, #tpu.memory_space<semaphore_mem>>) src(%arg7 : memref<16xf32, #tpu.memory_space<vmem>>) dst(%dma_wait3A_459 : memref<16xf32, #tpu.memory_space<hbm>>)
    %dma_wait3A_460 = tpu.memref_slice %arg4[%add3A_228, %mul3A_224] : memref<1024x16000xf32, #tpu.memory_space<hbm>> -> memref<1x16xf32, #tpu.memory_space<hbm>>
    %dma_wait3A_461 = tpu.memref_squeeze %dma_wait3A_460 : memref<1x16xf32, #tpu.memory_space<hbm>> -> memref<16xf32, #tpu.memory_space<hbm>>
    %dma_wait3A_462 = tpu.memref_slice %arg4[%add3A_228, %mul3A_224] : memref<1024x16000xf32, #tpu.memory_space<hbm>> -> memref<1x16xf32, #tpu.memory_space<hbm>>
    %dma_wait3A_463 = tpu.memref_squeeze %dma_wait3A_462 : memref<1x16xf32, #tpu.memory_space<hbm>> -> memref<16xf32, #tpu.memory_space<hbm>>
    tpu.wait_dma2 semaphore(%arg8 : memref<!tpu.dma_semaphore, #tpu.memory_space<semaphore_mem>>) src(%arg7 : memref<16xf32, #tpu.memory_space<vmem>>) dst(%dma_wait3A_463 : memref<16xf32, #tpu.memory_space<hbm>>)
    %dma_wait3A_464 = tpu.memref_slice %arg4[%add3A_240, %mul3A_236] : memref<1024x16000xf32, #tpu.memory_space<hbm>> -> memref<1x16xf32, #tpu.memory_space<hbm>>
    %dma_wait3A_465 = tpu.memref_squeeze %dma_wait3A_464 : memref<1x16xf32, #tpu.memory_space<hbm>> -> memref<16xf32, #tpu.memory_space<hbm>>
    %dma_wait3A_466 = tpu.memref_slice %arg4[%add3A_240, %mul3A_236] : memref<1024x16000xf32, #tpu.memory_space<hbm>> -> memref<1x16xf32, #tpu.memory_space<hbm>>
    %dma_wait3A_467 = tpu.memref_squeeze %dma_wait3A_466 : memref<1x16xf32, #tpu.memory_space<hbm>> -> memref<16xf32, #tpu.memory_space<hbm>>
    tpu.wait_dma2 semaphore(%arg8 : memref<!tpu.dma_semaphore, #tpu.memory_space<semaphore_mem>>) src(%arg7 : memref<16xf32, #tpu.memory_space<vmem>>) dst(%dma_wait3A_467 : memref<16xf32, #tpu.memory_space<hbm>>)
    %dma_wait3A_468 = tpu.memref_slice %arg4[%add3A_252, %mul3A_248] : memref<1024x16000xf32, #tpu.memory_space<hbm>> -> memref<1x16xf32, #tpu.memory_space<hbm>>
    %dma_wait3A_469 = tpu.memref_squeeze %dma_wait3A_468 : memref<1x16xf32, #tpu.memory_space<hbm>> -> memref<16xf32, #tpu.memory_space<hbm>>
    %dma_wait3A_470 = tpu.memref_slice %arg4[%add3A_252, %mul3A_248] : memref<1024x16000xf32, #tpu.memory_space<hbm>> -> memref<1x16xf32, #tpu.memory_space<hbm>>
    %dma_wait3A_471 = tpu.memref_squeeze %dma_wait3A_470 : memref<1x16xf32, #tpu.memory_space<hbm>> -> memref<16xf32, #tpu.memory_space<hbm>>
    tpu.wait_dma2 semaphore(%arg8 : memref<!tpu.dma_semaphore, #tpu.memory_space<semaphore_mem>>) src(%arg7 : memref<16xf32, #tpu.memory_space<vmem>>) dst(%dma_wait3A_471 : memref<16xf32, #tpu.memory_space<hbm>>)
    %dma_wait3A_472 = tpu.memref_slice %arg4[%add3A_264, %mul3A_260] : memref<1024x16000xf32, #tpu.memory_space<hbm>> -> memref<1x16xf32, #tpu.memory_space<hbm>>
    %dma_wait3A_473 = tpu.memref_squeeze %dma_wait3A_472 : memref<1x16xf32, #tpu.memory_space<hbm>> -> memref<16xf32, #tpu.memory_space<hbm>>
    %dma_wait3A_474 = tpu.memref_slice %arg4[%add3A_264, %mul3A_260] : memref<1024x16000xf32, #tpu.memory_space<hbm>> -> memref<1x16xf32, #tpu.memory_space<hbm>>
    %dma_wait3A_475 = tpu.memref_squeeze %dma_wait3A_474 : memref<1x16xf32, #tpu.memory_space<hbm>> -> memref<16xf32, #tpu.memory_space<hbm>>
    tpu.wait_dma2 semaphore(%arg8 : memref<!tpu.dma_semaphore, #tpu.memory_space<semaphore_mem>>) src(%arg7 : memref<16xf32, #tpu.memory_space<vmem>>) dst(%dma_wait3A_475 : memref<16xf32, #tpu.memory_space<hbm>>)
    %dma_wait3A_476 = tpu.memref_slice %arg4[%add3A_276, %mul3A_272] : memref<1024x16000xf32, #tpu.memory_space<hbm>> -> memref<1x16xf32, #tpu.memory_space<hbm>>
    %dma_wait3A_477 = tpu.memref_squeeze %dma_wait3A_476 : memref<1x16xf32, #tpu.memory_space<hbm>> -> memref<16xf32, #tpu.memory_space<hbm>>
    %dma_wait3A_478 = tpu.memref_slice %arg4[%add3A_276, %mul3A_272] : memref<1024x16000xf32, #tpu.memory_space<hbm>> -> memref<1x16xf32, #tpu.memory_space<hbm>>
    %dma_wait3A_479 = tpu.memref_squeeze %dma_wait3A_478 : memref<1x16xf32, #tpu.memory_space<hbm>> -> memref<16xf32, #tpu.memory_space<hbm>>
    tpu.wait_dma2 semaphore(%arg8 : memref<!tpu.dma_semaphore, #tpu.memory_space<semaphore_mem>>) src(%arg7 : memref<16xf32, #tpu.memory_space<vmem>>) dst(%dma_wait3A_479 : memref<16xf32, #tpu.memory_space<hbm>>)
    %dma_wait3A_480 = tpu.memref_slice %arg4[%add3A_288, %mul3A_284] : memref<1024x16000xf32, #tpu.memory_space<hbm>> -> memref<1x16xf32, #tpu.memory_space<hbm>>
    %dma_wait3A_481 = tpu.memref_squeeze %dma_wait3A_480 : memref<1x16xf32, #tpu.memory_space<hbm>> -> memref<16xf32, #tpu.memory_space<hbm>>
    %dma_wait3A_482 = tpu.memref_slice %arg4[%add3A_288, %mul3A_284] : memref<1024x16000xf32, #tpu.memory_space<hbm>> -> memref<1x16xf32, #tpu.memory_space<hbm>>
    %dma_wait3A_483 = tpu.memref_squeeze %dma_wait3A_482 : memref<1x16xf32, #tpu.memory_space<hbm>> -> memref<16xf32, #tpu.memory_space<hbm>>
    tpu.wait_dma2 semaphore(%arg8 : memref<!tpu.dma_semaphore, #tpu.memory_space<semaphore_mem>>) src(%arg7 : memref<16xf32, #tpu.memory_space<vmem>>) dst(%dma_wait3A_483 : memref<16xf32, #tpu.memory_space<hbm>>)
    %dma_wait3A_484 = tpu.memref_slice %arg4[%add3A_300, %mul3A_296] : memref<1024x16000xf32, #tpu.memory_space<hbm>> -> memref<1x16xf32, #tpu.memory_space<hbm>>
    %dma_wait3A_485 = tpu.memref_squeeze %dma_wait3A_484 : memref<1x16xf32, #tpu.memory_space<hbm>> -> memref<16xf32, #tpu.memory_space<hbm>>
    %dma_wait3A_486 = tpu.memref_slice %arg4[%add3A_300, %mul3A_296] : memref<1024x16000xf32, #tpu.memory_space<hbm>> -> memref<1x16xf32, #tpu.memory_space<hbm>>
    %dma_wait3A_487 = tpu.memref_squeeze %dma_wait3A_486 : memref<1x16xf32, #tpu.memory_space<hbm>> -> memref<16xf32, #tpu.memory_space<hbm>>
    tpu.wait_dma2 semaphore(%arg8 : memref<!tpu.dma_semaphore, #tpu.memory_space<semaphore_mem>>) src(%arg7 : memref<16xf32, #tpu.memory_space<vmem>>) dst(%dma_wait3A_487 : memref<16xf32, #tpu.memory_space<hbm>>)
    %dma_wait3A_488 = tpu.memref_slice %arg4[%add3A_312, %mul3A_308] : memref<1024x16000xf32, #tpu.memory_space<hbm>> -> memref<1x16xf32, #tpu.memory_space<hbm>>
    %dma_wait3A_489 = tpu.memref_squeeze %dma_wait3A_488 : memref<1x16xf32, #tpu.memory_space<hbm>> -> memref<16xf32, #tpu.memory_space<hbm>>
    %dma_wait3A_490 = tpu.memref_slice %arg4[%add3A_312, %mul3A_308] : memref<1024x16000xf32, #tpu.memory_space<hbm>> -> memref<1x16xf32, #tpu.memory_space<hbm>>
    %dma_wait3A_491 = tpu.memref_squeeze %dma_wait3A_490 : memref<1x16xf32, #tpu.memory_space<hbm>> -> memref<16xf32, #tpu.memory_space<hbm>>
    tpu.wait_dma2 semaphore(%arg8 : memref<!tpu.dma_semaphore, #tpu.memory_space<semaphore_mem>>) src(%arg7 : memref<16xf32, #tpu.memory_space<vmem>>) dst(%dma_wait3A_491 : memref<16xf32, #tpu.memory_space<hbm>>)
    %dma_wait3A_492 = tpu.memref_slice %arg4[%add3A_324, %mul3A_320] : memref<1024x16000xf32, #tpu.memory_space<hbm>> -> memref<1x16xf32, #tpu.memory_space<hbm>>
    %dma_wait3A_493 = tpu.memref_squeeze %dma_wait3A_492 : memref<1x16xf32, #tpu.memory_space<hbm>> -> memref<16xf32, #tpu.memory_space<hbm>>
    %dma_wait3A_494 = tpu.memref_slice %arg4[%add3A_324, %mul3A_320] : memref<1024x16000xf32, #tpu.memory_space<hbm>> -> memref<1x16xf32, #tpu.memory_space<hbm>>
    %dma_wait3A_495 = tpu.memref_squeeze %dma_wait3A_494 : memref<1x16xf32, #tpu.memory_space<hbm>> -> memref<16xf32, #tpu.memory_space<hbm>>
    tpu.wait_dma2 semaphore(%arg8 : memref<!tpu.dma_semaphore, #tpu.memory_space<semaphore_mem>>) src(%arg7 : memref<16xf32, #tpu.memory_space<vmem>>) dst(%dma_wait3A_495 : memref<16xf32, #tpu.memory_space<hbm>>)
    %dma_wait3A_496 = tpu.memref_slice %arg4[%add3A_336, %mul3A_332] : memref<1024x16000xf32, #tpu.memory_space<hbm>> -> memref<1x16xf32, #tpu.memory_space<hbm>>
    %dma_wait3A_497 = tpu.memref_squeeze %dma_wait3A_496 : memref<1x16xf32, #tpu.memory_space<hbm>> -> memref<16xf32, #tpu.memory_space<hbm>>
    %dma_wait3A_498 = tpu.memref_slice %arg4[%add3A_336, %mul3A_332] : memref<1024x16000xf32, #tpu.memory_space<hbm>> -> memref<1x16xf32, #tpu.memory_space<hbm>>
    %dma_wait3A_499 = tpu.memref_squeeze %dma_wait3A_498 : memref<1x16xf32, #tpu.memory_space<hbm>> -> memref<16xf32, #tpu.memory_space<hbm>>
    tpu.wait_dma2 semaphore(%arg8 : memref<!tpu.dma_semaphore, #tpu.memory_space<semaphore_mem>>) src(%arg7 : memref<16xf32, #tpu.memory_space<vmem>>) dst(%dma_wait3A_499 : memref<16xf32, #tpu.memory_space<hbm>>)
    %dma_wait3A_500 = tpu.memref_slice %arg4[%add3A_348, %mul3A_344] : memref<1024x16000xf32, #tpu.memory_space<hbm>> -> memref<1x16xf32, #tpu.memory_space<hbm>>
    %dma_wait3A_501 = tpu.memref_squeeze %dma_wait3A_500 : memref<1x16xf32, #tpu.memory_space<hbm>> -> memref<16xf32, #tpu.memory_space<hbm>>
    %dma_wait3A_502 = tpu.memref_slice %arg4[%add3A_348, %mul3A_344] : memref<1024x16000xf32, #tpu.memory_space<hbm>> -> memref<1x16xf32, #tpu.memory_space<hbm>>
    %dma_wait3A_503 = tpu.memref_squeeze %dma_wait3A_502 : memref<1x16xf32, #tpu.memory_space<hbm>> -> memref<16xf32, #tpu.memory_space<hbm>>
    tpu.wait_dma2 semaphore(%arg8 : memref<!tpu.dma_semaphore, #tpu.memory_space<semaphore_mem>>) src(%arg7 : memref<16xf32, #tpu.memory_space<vmem>>) dst(%dma_wait3A_503 : memref<16xf32, #tpu.memory_space<hbm>>)
    %dma_wait3A_504 = tpu.memref_slice %arg4[%add3A_360, %mul3A_356] : memref<1024x16000xf32, #tpu.memory_space<hbm>> -> memref<1x16xf32, #tpu.memory_space<hbm>>
    %dma_wait3A_505 = tpu.memref_squeeze %dma_wait3A_504 : memref<1x16xf32, #tpu.memory_space<hbm>> -> memref<16xf32, #tpu.memory_space<hbm>>
    %dma_wait3A_506 = tpu.memref_slice %arg4[%add3A_360, %mul3A_356] : memref<1024x16000xf32, #tpu.memory_space<hbm>> -> memref<1x16xf32, #tpu.memory_space<hbm>>
    %dma_wait3A_507 = tpu.memref_squeeze %dma_wait3A_506 : memref<1x16xf32, #tpu.memory_space<hbm>> -> memref<16xf32, #tpu.memory_space<hbm>>
    tpu.wait_dma2 semaphore(%arg8 : memref<!tpu.dma_semaphore, #tpu.memory_space<semaphore_mem>>) src(%arg7 : memref<16xf32, #tpu.memory_space<vmem>>) dst(%dma_wait3A_507 : memref<16xf32, #tpu.memory_space<hbm>>)
    %dma_wait3A_508 = tpu.memref_slice %arg4[%add3A_372, %mul3A_368] : memref<1024x16000xf32, #tpu.memory_space<hbm>> -> memref<1x16xf32, #tpu.memory_space<hbm>>
    %dma_wait3A_509 = tpu.memref_squeeze %dma_wait3A_508 : memref<1x16xf32, #tpu.memory_space<hbm>> -> memref<16xf32, #tpu.memory_space<hbm>>
    %dma_wait3A_510 = tpu.memref_slice %arg4[%add3A_372, %mul3A_368] : memref<1024x16000xf32, #tpu.memory_space<hbm>> -> memref<1x16xf32, #tpu.memory_space<hbm>>
    %dma_wait3A_511 = tpu.memref_squeeze %dma_wait3A_510 : memref<1x16xf32, #tpu.memory_space<hbm>> -> memref<16xf32, #tpu.memory_space<hbm>>
    tpu.wait_dma2 semaphore(%arg8 : memref<!tpu.dma_semaphore, #tpu.memory_space<semaphore_mem>>) src(%arg7 : memref<16xf32, #tpu.memory_space<vmem>>) dst(%dma_wait3A_511 : memref<16xf32, #tpu.memory_space<hbm>>)
    %dma_wait3A_512 = tpu.memref_slice %arg4[%add3A_384, %mul3A_380] : memref<1024x16000xf32, #tpu.memory_space<hbm>> -> memref<1x16xf32, #tpu.memory_space<hbm>>
    %dma_wait3A_513 = tpu.memref_squeeze %dma_wait3A_512 : memref<1x16xf32, #tpu.memory_space<hbm>> -> memref<16xf32, #tpu.memory_space<hbm>>
    %dma_wait3A_514 = tpu.memref_slice %arg4[%add3A_384, %mul3A_380] : memref<1024x16000xf32, #tpu.memory_space<hbm>> -> memref<1x16xf32, #tpu.memory_space<hbm>>
    %dma_wait3A_515 = tpu.memref_squeeze %dma_wait3A_514 : memref<1x16xf32, #tpu.memory_space<hbm>> -> memref<16xf32, #tpu.memory_space<hbm>>
    tpu.wait_dma2 semaphore(%arg8 : memref<!tpu.dma_semaphore, #tpu.memory_space<semaphore_mem>>) src(%arg7 : memref<16xf32, #tpu.memory_space<vmem>>) dst(%dma_wait3A_515 : memref<16xf32, #tpu.memory_space<hbm>>)
    return
  }
}

module attributes {stable_mosaic.version = 14 : i64} {
  func.func @_fill_body(%arg0: i32, %arg1: memref<1x16000xf32, #tpu.memory_space<vmem>>, %arg2: memref<32x16000xf32, #tpu.memory_space<vmem>>) attributes {dimension_semantics = [#tpu.dimension_semantics<arbitrary>], iteration_bounds = array<i64: 32>, scalar_prefetch = 0 : i64, scratch_operands = 0 : i64, tpu.core_type = #tpu.core_type<tc>, window_params = [{pipeline_mode = #tpu.pipeline_mode<synchronous>, transform_indices = @transform_0, window_bounds = array<i64: 1, 16000>}, {transform_indices = @transform_1, window_bounds = array<i64: 32, 16000>}]} {
    %get3A = arith.constant 0 : index
    %get3A_0 = arith.constant 0 : index
    %get3A_1 = vector.load %arg1[%get3A, %get3A_0] : memref<1x16000xf32, #tpu.memory_space<vmem>>, vector<1x16000xf32>
    %broadcast_in_dim3A = vector.shape_cast %get3A_1 : vector<1x16000xf32> to vector<1x16000xf32>
    %broadcast_in_dim3A_2 = vector.broadcast %broadcast_in_dim3A : vector<1x16000xf32> to vector<32x16000xf32>
    %swap3A = arith.constant 0 : index
    %swap3A_3 = arith.constant 0 : index
    %swap3A_4 = vector.load %arg2[%swap3A, %swap3A_3] : memref<32x16000xf32, #tpu.memory_space<vmem>>, vector<32x16000xf32>
    tpu.vector_store %arg2[%swap3A, %swap3A_3], %broadcast_in_dim3A_2 {strides = array<i32>} : memref<32x16000xf32, #tpu.memory_space<vmem>>, vector<32x16000xf32>,
    return
  }
  func.func @transform_0(%arg0: i32) -> (i32, i32) {
    %c0_i32 = arith.constant 0 : i32
    %c0_i32_0 = arith.constant 0 : i32
    %c0_i32_1 = arith.constant 0 : i32
    return %c0_i32, %c0_i32_0 : i32, i32
  }
  func.func @transform_1(%arg0: i32) -> (i32, i32) {
    %c0_i32 = arith.constant 0 : i32
    %c0_i32_0 = arith.constant 0 : i32
    return %arg0, %c0_i32 : i32, i32
  }
}

</mosaic_0001>

<sc_bundles>
// kernel: kernel.4.cloned.1.call-start
scs
__scs_entry_jumppad:
0x0: {  	(pc) =	sbr.rel $0x88, $3  }
0x1: {  	(tag) =	ssettag $0x0;
	lr =	simm.s32 $0x1  }
0x2: {  	[smem:$0x3F9F] =	sst lr;
	_ =	strace $0xD0000000  }
0x3: {  	_ = 	snop  }
0x4: {  	_ = 	snop  }
0x5: {  	_ = 	snop  }
0x6: {  	_ = 	snop  }
0x7: {  	_ = 	snop  }
__scs_overlays_trampoline_lowered:
0x8: {  	[smem:$0x3FAE] =	sst s0  }
0x9: {  	[smem:$0x3FAF] =	sst s1  }
0xa: {  	[smem:$0x3FB0] =	sst s2  }
0xb: {  	[smem:$0x3FB1] =	sst s3  }
0xc: {  	[smem:$0x3FB2] =	sst s4  }
0xd: {  	[smem:$0x3FB3] =	sst s5  }
0xe: {  	[smem:$0x3FB4] =	sst s6  }
0xf: {  	[smem:$0x3FB5] =	sst s7  }
0x10: {  	[smem:$0x3FB6] =	sst s8  }
0x11: {  	[smem:$0x3FB7] =	sst s9;
	s0 =	simm.s32 @!p0 $0x0  }
0x12: {  	s1 =	sld [smem:$0x3F9D];
	s0 =	simm.s32 @p0 $0x1  }
0x13: {  	[smem:$0x3FB8] =	sst s0;
	s0 =	simm.s32 @!p1 $0x0  }
0x14: {  	s2 =	sld [smem:$0x3F9C];
	s0 =	simm.s32 @p1 $0x1  }
0x15: {  	[smem:$0x3FB9] =	sst s0;
	s0 =	simm.s32 @!p2 $0x0  }
0x16: {  	s3 =	sld [smem:$0x3FDB];
	s0 =	simm.s32 @p2 $0x1  }
0x17: {  	s4 =	simm.s32 $0x1BF5;
	[smem:$0x3FBB] =	sst s0  }
0x18: {  	s0 =	sld [smem:$0x3F9E];
	_ =	swait.ge [sflag:s4], $0x0  }
0x19: {  	s7 =	sld [smem:$0x3F9F]  }
0x1a: {  	s8 =	sadd.s32 $0xFFFFE003, lr  }
0x1b: {  	s9 =	sadd.s32 $0xFFFFFEF7, lr;
	s5 =	simm.s32 $0xFFFFFFFF;
	p2 =	slt.u32 s8, $0xFFFFF086  }
0x1c: {  	p1 =	slt.u32 s9, $0xF7A;
	s5 =	simm.s32 @!p2 $0x0  }
0x1d: {  	s5 =	simm.s32 @p1 $0x1;
	p0 =	seq.s32 s7, s2  }
0x1e: {  	s7 =	smul.u32 @!p0 $0xF7A, s2;
	p2 =	seq.s32 @!p0 s5, $0x0  }
0x1f: {  	s9 =	smul.u32 $0xF7A, s1;
	s8 =	simm.s32 @!p0 $0x1BF5;
	p2 =	por !p2, p0  }
0x20: {  	[sflag:s8] =	ssyncset.s32 @!p0 $0xFFFFF086;
	s6 =	sadd.s32 @!p0 s3, s7;
	s7 =	simm.s32 @!p0 $0x108  }
0x21: {  	s3 =	sadd.s32 s3, s9;
	s6 =	sadd.s32 @!p0 $0x88, s6;
	s7 =	simm.s32 @p2 $0x1082  }
0x22: {  	[simem:s7], [sflag:s8] =	dma.local @!p0 [hbm:s6], $0xF7A  }
0x23: {  	s9 =	sor.u32 $0xD0000000, s2;
	s6 =	simm.s32 $0x108;
	_ =	swait.ge @!p0 [sflag:s8], $0x0  }
0x24: {  	s3 =	sadd.s32 $0x88, s3;
	s6 =	simm.s32 @!p1 $0x1082;
	[sflag:s4] =	ssyncset.s32 $0xFFFFF086  }
0x25: {  	[simem:s6], [sflag:s4] =	dma.local [hbm:s3], $0xF7A  }
0x26: {  	[smem:$0x3F9F] =	sst s1;
	(tag) =	ssettag s2;
	_ =	strace s9  }
0x27: {  	s1 =	sld [smem:$0x3FAF]  }
0x28: {  	s2 =	sld [smem:$0x3FB0]  }
0x29: {  	s4 =	sld [smem:$0x3FB2]  }
0x2a: {  	p0 =	seq.s32 s5, $0x0;
	s5 =	sld [smem:$0x3FB3]  }
0x2b: {  	s6 =	sld [smem:$0x3FB4]  }
0x2c: {  	s7 =	sld [smem:$0x3FB5]  }
0x2d: {  	s3 =	simm.s32 $0x108;
	s8 =	sld [smem:$0x3FB6]  }
0x2e: {  	s3 =	simm.s32 @!p0 $0x1082;
	s9 =	sld [smem:$0x3FB7]  }
0x2f: {  	lr =	sadd.s32 s0, s3;
	s0 =	sld [smem:$0x3FAE]  }
0x30: {  	s3 =	sld [smem:$0x3FB1]  }
0x31: {  	[smem:$0x3FBA] =	sst s10  }
0x32: {  	s10 =	sld [smem:$0x3FB8];
	_ =	sdelay $0x3  }
0x33: {  	p0 =	seq.s32 s10, $0x1;
	s10 =	sld [smem:$0x3FBA];
	_ =	sdelay $0x3  }
0x34: {  	[smem:$0x3FBA] =	sst s10  }
0x35: {  	s10 =	sld [smem:$0x3FB9];
	_ =	sdelay $0x3  }
0x36: {  	p1 =	seq.s32 s10, $0x1;
	s10 =	sld [smem:$0x3FBA];
	_ =	sdelay $0x3  }
0x37: {  	[smem:$0x3FBA] =	sst s10  }
0x38: {  	s10 =	sld [smem:$0x3FBB]  }
0x39: {  	_ = 	snop;
	(pc) =	sbr.ind lr, $3  }
0x3a: {  	_ = 	snop  }
0x3b: {  	_ = 	snop  }
0x3c: {  	p2 =	seq.s32 s10, $0x1;
	s10 =	sld [smem:$0x3FBA]  }
0x3d: {  	_ =	shalt  }
0x3e: {  	_ =	shalt  }
0x3f: {  	_ =	shalt  }
0x40: {  	_ =	shalt  }
0x41: {  	_ =	shalt  }
0x42: {  	_ =	shalt  }
0x43: {  	_ =	shalt  }
0x44: {  	_ =	shalt  }
0x45: {  	_ =	shalt  }
0x46: {  	_ =	shalt  }
0x47: {  	_ =	shalt  }
0x48: {  	_ =	shalt  }
0x49: {  	_ =	shalt  }
0x4a: {  	_ =	shalt  }
0x4b: {  	_ =	shalt  }
0x4c: {  	_ =	shalt  }
0x4d: {  	_ =	shalt  }
0x4e: {  	_ =	shalt  }
0x4f: {  	_ =	shalt  }
0x50: {  	_ =	shalt  }
0x51: {  	_ =	shalt  }
0x52: {  	_ =	shalt  }
0x53: {  	_ =	shalt  }
0x54: {  	_ =	shalt  }
0x55: {  	_ =	shalt  }
0x56: {  	_ =	shalt  }
0x57: {  	_ =	shalt  }
0x58: {  	_ =	shalt  }
0x59: {  	_ =	shalt  }
0x5a: {  	_ =	shalt  }
0x5b: {  	_ =	shalt  }
0x5c: {  	_ =	shalt  }
0x5d: {  	_ =	shalt  }
0x5e: {  	_ =	shalt  }
0x5f: {  	_ =	shalt  }
0x60: {  	_ =	shalt  }
0x61: {  	_ =	shalt  }
0x62: {  	_ =	shalt  }
0x63: {  	_ =	shalt  }
0x64: {  	_ =	shalt  }
0x65: {  	_ =	shalt  }
0x66: {  	_ =	shalt  }
0x67: {  	_ =	shalt  }
0x68: {  	_ =	shalt  }
0x69: {  	_ =	shalt  }
0x6a: {  	_ =	shalt  }
0x6b: {  	_ =	shalt  }
0x6c: {  	_ =	shalt  }
0x6d: {  	_ =	shalt  }
0x6e: {  	_ =	shalt  }
0x6f: {  	_ =	shalt  }
0x70: {  	_ =	shalt  }
0x71: {  	_ =	shalt  }
0x72: {  	_ =	shalt  }
0x73: {  	_ =	shalt  }
0x74: {  	_ =	shalt  }
0x75: {  	_ =	shalt  }
0x76: {  	_ =	shalt  }
0x77: {  	_ =	shalt  }
0x78: {  	_ =	shalt  }
0x79: {  	_ =	shalt  }
0x7a: {  	_ =	shalt  }
0x7b: {  	_ =	shalt  }
0x7c: {  	_ =	shalt  }
0x7d: {  	_ =	shalt  }
0x7e: {  	_ =	shalt  }
0x7f: {  	_ =	shalt  }
0x80: {  	_ =	shalt  }
0x81: {  	_ =	shalt  }
0x82: {  	_ =	shalt  }
0x83: {  	_ =	shalt  }
0x84: {  	_ =	shalt  }
0x85: {  	_ =	shalt  }
0x86: {  	_ =	shalt  }
0x87: {  	_ =	shalt  }
.Lfunc_end0:
.L_simem_size_0:
called_computation_lowered:
.L_overlay_start_0:
0x88: {  	s2 =	sld [smem:$0x3FD9]  }
0x89: {  	s3 =	sld [smem:$0x3FFE];
	_ =	sdelay $0x1  }
0x8a: {  	s1 =	srdreg.scid  }
0x8b: {  	s0 =	sand.u32 $0x1, s1  }
0x8c: {  	s17 =	sshll.u32 s0, $0xA;
	s2 =	sadd.s32 s3, s2  }
0x8d: {  	s2 =	sadd.s32 s2, s17  }
0x8e: {  	[smem:$0x3FC6] =	sst s2  }
0x8f: {  	_ = 	snop  }
0x90: {  	s2 =	sld [smem:$0x3FC9]  }
0x91: {  	s18 =	sld [smem:$0x3FD0];
	(tm) =	ssettm $0x1  }
0x92: {  	s4 =	sld [smem:$0x3FFB];
	_ =	sdelay $0x3  }
0x93: {  	_ =	strace s4  }
0x94: {  	s4 =	sld [smem:$0x3FFC];
	_ =	sdelay $0x3  }
0x95: {  	_ =	strace s4  }
0x96: {  	s4 =	sld [smem:$0x3FFD];
	_ =	sdelay $0x3  }
0x97: {  	_ =	strace s4  }
0x98: {  	_ =	strace $0x8FFFFFFF  }
0x99: {  	s19 =	sld [smem:$0x3FDB];
	_ =	sdelay $0x1  }
0x9a: {  	s5 =	simm.s32 $_scs_section_size  }
0x9b: {  	s6 =	simm.s32 $_size__tile_overlayer_lowered;
	s7 =	simm.s32 $_tile_overlayer_lowered  }
0x9c: {  	s22 =	simm.s32 $0x1BFF;
	s21 =	sshll.u32 s7, $0x1;
	s4 =	sadd.s32 s5, s19  }
0x9d: {  	s8 =	simm.s32 $0x0;
	s20 =	sshll.u32 s6, $0x1;
	s6 =	sadd.s32 s21, s4  }
0x9e: {  	[timem:s8], [sflag:s22] =	dma.local [hbm:s6], s20  }
0x9f: {  	_ =	swait.ge [sflag:s22], s20  }
0xa0: {  	s5 =	ssub.s32 $0x0, s20;
	[sflag:s22] =	ssyncset.done $0x0  }
0xa1: {  	[sflag:s22] =	ssyncadd.s32 s5;
	_ =	sdelay $0x1  }
0xa2: {  	s23 =	simm.s32 $0x1B8B  }
0xa3: {  	_ =	swait.ge [sflag:s23], $0x1  }
0xa4: {  	[sflag:s23] =	ssyncset.done $0x0  }
0xa5: {  	s25 =	simm.s32 $0x1B8E;
	s24 =	sld [smem:$0x3FFE];
	[sflag:s23] =	ssyncadd.s32 $0xFFFFFFFF  }
0xa6: {  	s26 =	simm.s32 $execute0_lowered;
	[smem:$0x3FD2] =	sst s25  }
0xa7: {  	s6 =	sshll.u32 s26, $0x1;
	_ =	strace $0x80000046;
	[dreg:$0x1] =	wrdreg $0xFFFFFFFF  }
0xa8: {  	s28 =	simm.s32 $_size_execute0_lowered;
	s4 =	sadd.s32 s4, s6;
	[dreg:$0x0] =	wrdreg $0x0  }
0xa9: {  	s6 =	sshll.u32 s28, $0x1;
	[dreg:$0x2] =	wrdreg s4  }
0xaa: {  	[dreg:$0x3] =	wrdreg s6  }
0xab: {  	[dreg:$0x4] =	wrdreg $0xC0  }
0xac: {  	_ =	task [dreg:s8], $0x5FFFF  }
0xad: {  	[dreg:$0x1] =	wrdreg $0xFFFFFFFF  }
0xae: {  	[dreg:$0x0] =	wrdreg $0x60  }
0xaf: {  	[dreg:$0x2] =	wrdreg s2  }
0xb0: {  	[dreg:$0x3] =	wrdreg s24  }
0xb1: {  	[dreg:$0x4] =	wrdreg s18  }
0xb2: {  	[dreg:$0x5] =	wrdreg $0x9  }
0xb3: {  	_ =	task.clear_ibuf [dreg:s8], $0x6FFFF;
	_ =	strace $0x90000046  }
0xb4: {  	s29 =	simm.s32 $0x9;
	_ =	strace $0x80000048  }
0xb5: {  	_ =	swait.ge [sflag:s29], $0x1  }
0xb6: {  	[sflag:s29] =	ssyncadd.s32 $0xFFFFFFFF  }
0xb7: {  	_ =	strace $0x90000048  }
0xb8: {  	_ =	sfence  }
0xb9: {  	s30 =	sld [smem:$0x0];
	_ =	sdelay $0x2  }
0xba: {  	s31 =	sshll.u32 s1, $0xD;
	s1 =	sshrl.u32 s1, $0x2  }
0xbb: {  	s3 =	sand.u32 $0x4000, s31;
	s1 =	sadd.s32 s1, s30  }
0xbc: {  	s0 =	sor.u32 s3, s0;
	s1 =	sshll.u32 s1, $0x11  }
0xbd: {  	s0 =	sor.u32 s1, s0  }
0xbe: {  	s0 =	sadd.s32 $0x8F2B, s0  }
0xbf: {  	[sflag:s0] =	ssyncadd.remote.s32 $0x1  }
0xc0: {  	_ =	sfence.sel $0xFFFF  }
0xc1: {  	[dreg:$0x0] =	wrdreg $0xFFFFFFFF;
	(pc) =	sbr.abs _section_cstart, $3  }
0xc2: {  	[dreg:$0x1] =	wrdreg $0xFFFFFFFF  }
0xc3: {  	_ =	task.clear_ibuf [dreg:s8], $0x2FFFF;
	_ =	strace $0x9FFFFFFF  }
0xc4: {  	(tm) =	ssettm $0x7FFFFFFF  }
0xc5: {  	_ =	shalt  }
tec
execute0_lowered:
.L_overlay_start_1:
0x0: {  	(tag) =	ssettag $0x1  }
0x1: {  	s4 =	rddreg [dreg:$0x0]  }
0x2: {  	s0 =	rddreg [dreg:$0x1]  }
0x3: {  	s2 =	rddreg [dreg:$0x2];
	s3 =	srdreg.scid  }
0x4: {  	s1 =	stileid.u32;
	s16 =	simm.s32 $0x2;
	[dreg:$0x4] =	wrdreg s0  }
0x5: {  	s17 =	simm.s32 $0x80;
	s18 =	simm.s32 $0x1;
	s0 =	rddreg [dreg:$0x3]  }
0x6: {  	s5 =	sand.u32 $0x1, s3;
	s3 =	simm.s32 $0x0;
	s6 =	sshll.u32 s1, $0x3  }
0x7: {  	s8 =	sadd.s32 $0x40, s2;
	s9 =	sadd.s32 $0x50, s2;
	s10 =	sadd.s32 $0x60, s2  }
0x8: {  	s11 =	sadd.s32 $0x70, s2;
	s7 =	sshll.u32 s5, $0x2;
	[smem:$0x7FF] =	sst s3  }
0x9: {  	s5 =	ssub.s32 $0x2, s5;
	s6 =	sor.u32 s7, s6;
	_ =	strace $0x80000047  }
0xa: {  	s31 =	sshrl.u32 s5, $0x1;
	s7 =	sadd.s32 $0x30, s2;
	s4 =	sadd.s32 s4, s6  }
0xb: {  	s15 =	ssub.s32 s5, s31;
	[dreg:$0x5] =	wrdreg s4;
	s4 =	smul.u32 $0x1F400, s6  }
0xc: {  	s5 =	sadd.s32 $0x10, s2;
	s6 =	sadd.s32 $0x20, s2;
	s15 =	smax.u32 s15, $0x1  }
0xd: {  	s12 =	sadd.s32 $0x1F400, s4;
	s13 =	sadd.s32 $0x3E800, s4;
	s14 =	sadd.s32 $0x5DC00, s4  }
.LBB2_1:
0xe: {  	s19 =	rddreg [dreg:$0x5]  }
0xf: {  	[tilespmem:s3], [sflag:$0x2] =	stream.linear.gather [hbm4b:s19+s3], $0x20, $0x38;
	[tilespmem:$0x100] =	vst v63  }
0x10: {  	_ =	swait.ge [sflag:s16], $0x20  }
0x11: {  	[sflag:s16] =	ssyncset.done $0x0  }
0x12: {  	s28 =	rddreg [dreg:$0x4];
	[sflag:s16] =	ssyncadd.s32 $0xFFFFFFE0  }
0x13: {  	[tilespmem:s17], [sflag:$0x2] =	stream.linear.gather [hbm4b:s28+s3], $0x80, $0x38;
	[tilespmem:$0x100] =	vst v63  }
0x14: {  	_ =	swait.ge [sflag:s16], $0x80  }
0x15: {  	[sflag:s16] =	ssyncset.done $0x0  }
0x16: {  	[sflag:s16] =	ssyncadd.s32 $0xFFFFFF80  }
0x17: {  	v0 =	vld [tilespmem:$0x0];
	_ =	sdelay $0x4  }
0x18: {  	(v2sf) =	vpush v0, $0x0;
	_ =	sdelay $0xd  }
0x19: {  	(v2sf) =	vpush v0, $0x1  }
0x1a: {  	s29 =	spop (v2sf);
	(v2sf) =	vpush v0, $0x2;
	_ =	sdelay $0x4  }
0x1b: {  	(v2sf) =	vpush v0, $0x3;
	_ =	sdelay $0x6  }
0x1c: {  	s20 =	sshll.u32 s29, $0x7  }
0x1d: {  	s19 =	sshll.u32 s29, $0x4;
	s20 =	sand.u32 $0xFFFFFC00, s20  }
0x1e: {  	s30 =	spop (v2sf);
	s19 =	sand.u32 $0x70, s19;
	s20 =	sadd.s32 s4, s20  }
0x1f: {  	s19 =	sor.u32 s19, s20;
	s21 =	spop (v2sf);
	(v2sf) =	vpush v0, $0x4  }
0x20: {  	s19 =	sshrl.u32 s19, $0x3  }
0x21: {  	s31 =	sshll.u32 s30, $0x7;
	s19 =	sadd.s32 s2, s19  }
0x22: {  	[hbm4b:s19+s3] =	stream.linear.scatter [tilespmem:s17], [sflag:$0x1], $0x10, $0x38;
	[tilespmem:$0x100] =	vst v63  }
0x23: {  	s20 =	sand.u32 $0xFFFFFC00, s31;
	s19 =	sshll.u32 s30, $0x4  }
0x24: {  	s20 =	sadd.s32 s4, s20;
	s19 =	sand.u32 $0x70, s19;
	s23 =	spop (v2sf);
	(v2sf) =	vpush v0, $0x5  }
0x25: {  	s19 =	sor.u32 s19, s20  }
0x26: {  	s19 =	sshrl.u32 s19, $0x3  }
0x27: {  	s19 =	sadd.s32 s19, s5  }
0x28: {  	[hbm4b:s19+s3] =	stream.linear.scatter [tilespmem:s17], [sflag:$0x1], $0x10, $0x38;
	[tilespmem:$0x100] =	vst v63  }
0x29: {  	s22 =	sshll.u32 s21, $0x7  }
0x2a: {  	s19 =	sshll.u32 s21, $0x4;
	s20 =	sand.u32 $0xFFFFFC00, s22  }
0x2b: {  	s19 =	sand.u32 $0x70, s19;
	s20 =	sadd.s32 s4, s20  }
0x2c: {  	s19 =	sor.u32 s19, s20  }
0x2d: {  	s19 =	sshrl.u32 s19, $0x3  }
0x2e: {  	s24 =	sshll.u32 s23, $0x7;
	s19 =	sadd.s32 s19, s6;
	s25 =	spop (v2sf);
	(v2sf) =	vpush v0, $0x6  }
0x2f: {  	[hbm4b:s19+s3] =	stream.linear.scatter [tilespmem:s17], [sflag:$0x1], $0x10, $0x38;
	[tilespmem:$0x100] =	vst v63  }
0x30: {  	s20 =	sand.u32 $0xFFFFFC00, s24;
	s19 =	sshll.u32 s23, $0x4  }
0x31: {  	s20 =	sadd.s32 s4, s20;
	s19 =	sand.u32 $0x70, s19  }
0x32: {  	s19 =	sor.u32 s19, s20  }
0x33: {  	s19 =	sshrl.u32 s19, $0x3;
	s28 =	spop (v2sf);
	(v2sf) =	vpush v0, $0x7  }
0x34: {  	s19 =	sadd.s32 s19, s7  }
0x35: {  	[hbm4b:s19+s3] =	stream.linear.scatter [tilespmem:s17], [sflag:$0x1], $0x10, $0x38;
	[tilespmem:$0x100] =	vst v63  }
0x36: {  	s26 =	sshll.u32 s25, $0x7  }
0x37: {  	s19 =	sshll.u32 s25, $0x4;
	s20 =	sand.u32 $0xFFFFFC00, s26  }
0x38: {  	s19 =	sand.u32 $0x70, s19;
	s20 =	sadd.s32 s4, s20  }
0x39: {  	s19 =	sor.u32 s19, s20  }
0x3a: {  	s19 =	sshrl.u32 s19, $0x3  }
0x3b: {  	s19 =	sadd.s32 s19, s8  }
0x3c: {  	[hbm4b:s19+s3] =	stream.linear.scatter [tilespmem:s17], [sflag:$0x1], $0x10, $0x38;
	[tilespmem:$0x100] =	vst v63  }
0x3d: {  	s29 =	sshll.u32 s28, $0x7;
	s30 =	spop (v2sf);
	(v2sf) =	vpush v0, $0x8  }
0x3e: {  	s20 =	sand.u32 $0xFFFFFC00, s29;
	s19 =	sshll.u32 s28, $0x4  }
0x3f: {  	s20 =	sadd.s32 s4, s20;
	s19 =	sand.u32 $0x70, s19  }
0x40: {  	s19 =	sor.u32 s19, s20  }
0x41: {  	s19 =	sshrl.u32 s19, $0x3  }
0x42: {  	s19 =	sadd.s32 s19, s9;
	s21 =	spop (v2sf);
	(v2sf) =	vpush v0, $0x9  }
0x43: {  	[hbm4b:s19+s3] =	stream.linear.scatter [tilespmem:s17], [sflag:$0x1], $0x10, $0x38;
	[tilespmem:$0x100] =	vst v63  }
0x44: {  	s31 =	sshll.u32 s30, $0x7  }
0x45: {  	s19 =	sshll.u32 s30, $0x4;
	s20 =	sand.u32 $0xFFFFFC00, s31  }
0x46: {  	s19 =	sand.u32 $0x70, s19;
	s20 =	sadd.s32 s4, s20  }
0x47: {  	s19 =	sor.u32 s19, s20  }
0x48: {  	s19 =	sshrl.u32 s19, $0x3  }
0x49: {  	s22 =	sshll.u32 s21, $0x7;
	s19 =	sadd.s32 s19, s10  }
0x4a: {  	[hbm4b:s19+s3] =	stream.linear.scatter [tilespmem:s17], [sflag:$0x1], $0x10, $0x38;
	[tilespmem:$0x100] =	vst v63  }
0x4b: {  	s20 =	sand.u32 $0xFFFFFC00, s22;
	s19 =	sshll.u32 s21, $0x4  }
0x4c: {  	s20 =	sadd.s32 s4, s20;
	s19 =	sand.u32 $0x70, s19;
	s23 =	spop (v2sf);
	(v2sf) =	vpush v0, $0xA  }
0x4d: {  	s19 =	sor.u32 s19, s20  }
0x4e: {  	s19 =	sshrl.u32 s19, $0x3  }
0x4f: {  	s19 =	sadd.s32 s19, s11  }
0x50: {  	[hbm4b:s19+s3] =	stream.linear.scatter [tilespmem:s17], [sflag:$0x1], $0x10, $0x38;
	[tilespmem:$0x100] =	vst v63  }
0x51: {  	s25 =	spop (v2sf);
	(v2sf) =	vpush v0, $0xB  }
0x52: {  	s24 =	sshll.u32 s23, $0x7  }
0x53: {  	s19 =	sshll.u32 s23, $0x4;
	s20 =	sand.u32 $0xFFFFFC00, s24  }
0x54: {  	s19 =	sand.u32 $0x70, s19;
	s20 =	sadd.s32 s12, s20  }
0x55: {  	s19 =	sor.u32 s19, s20  }
0x56: {  	s19 =	sshrl.u32 s19, $0x3  }
0x57: {  	s26 =	sshll.u32 s25, $0x7;
	s19 =	sadd.s32 s2, s19  }
0x58: {  	[hbm4b:s19+s3] =	stream.linear.scatter [tilespmem:s17], [sflag:$0x1], $0x10, $0x38;
	[tilespmem:$0x100] =	vst v63  }
0x59: {  	s20 =	sand.u32 $0xFFFFFC00, s26;
	s19 =	sshll.u32 s25, $0x4  }
0x5a: {  	s20 =	sadd.s32 s12, s20;
	s19 =	sand.u32 $0x70, s19  }
0x5b: {  	s19 =	sor.u32 s19, s20;
	s28 =	spop (v2sf);
	(v2sf) =	vpush v0, $0xC  }
0x5c: {  	s19 =	sshrl.u32 s19, $0x3  }
0x5d: {  	s19 =	sadd.s32 s19, s5  }
0x5e: {  	[hbm4b:s19+s3] =	stream.linear.scatter [tilespmem:s17], [sflag:$0x1], $0x10, $0x38;
	[tilespmem:$0x100] =	vst v63  }
0x5f: {  	s29 =	sshll.u32 s28, $0x7  }
0x60: {  	s19 =	sshll.u32 s28, $0x4;
	s30 =	spop (v2sf);
	(v2sf) =	vpush v0, $0xD;
	s20 =	sand.u32 $0xFFFFFC00, s29  }
0x61: {  	s19 =	sand.u32 $0x70, s19;
	s20 =	sadd.s32 s12, s20  }
0x62: {  	s19 =	sor.u32 s19, s20  }
0x63: {  	s19 =	sshrl.u32 s19, $0x3  }
0x64: {  	s31 =	sshll.u32 s30, $0x7;
	s19 =	sadd.s32 s19, s6  }
0x65: {  	[hbm4b:s19+s3] =	stream.linear.scatter [tilespmem:s17], [sflag:$0x1], $0x10, $0x38;
	[tilespmem:$0x100] =	vst v63  }
0x66: {  	s20 =	sand.u32 $0xFFFFFC00, s31;
	s19 =	sshll.u32 s30, $0x4  }
0x67: {  	s20 =	sadd.s32 s12, s20;
	s19 =	sand.u32 $0x70, s19  }
0x68: {  	s19 =	sor.u32 s19, s20  }
0x69: {  	s19 =	sshrl.u32 s19, $0x3  }
0x6a: {  	s19 =	sadd.s32 s19, s7;
	s21 =	spop (v2sf);
	(v2sf) =	vpush v0, $0xE  }
0x6b: {  	[hbm4b:s19+s3] =	stream.linear.scatter [tilespmem:s17], [sflag:$0x1], $0x10, $0x38;
	[tilespmem:$0x100] =	vst v63  }
0x6c: {  	s22 =	sshll.u32 s21, $0x7  }
0x6d: {  	s19 =	sshll.u32 s21, $0x4;
	s20 =	sand.u32 $0xFFFFFC00, s22  }
0x6e: {  	s19 =	sand.u32 $0x70, s19;
	s20 =	sadd.s32 s12, s20  }
0x6f: {  	s23 =	spop (v2sf);
	(v2sf) =	vpush v0, $0xF;
	s19 =	sor.u32 s19, s20  }
0x70: {  	s19 =	sshrl.u32 s19, $0x3  }
0x71: {  	s24 =	sshll.u32 s23, $0x7;
	s19 =	sadd.s32 s19, s8  }
0x72: {  	[hbm4b:s19+s3] =	stream.linear.scatter [tilespmem:s17], [sflag:$0x1], $0x10, $0x38;
	[tilespmem:$0x100] =	vst v63  }
0x73: {  	s20 =	sand.u32 $0xFFFFFC00, s24;
	s19 =	sshll.u32 s23, $0x4  }
0x74: {  	s20 =	sadd.s32 s12, s20;
	s19 =	sand.u32 $0x70, s19  }
0x75: {  	s19 =	sor.u32 s19, s20  }
0x76: {  	s19 =	sshrl.u32 s19, $0x3  }
0x77: {  	s19 =	sadd.s32 s19, s9  }
0x78: {  	[hbm4b:s19+s3] =	stream.linear.scatter [tilespmem:s17], [sflag:$0x1], $0x10, $0x38;
	[tilespmem:$0x100] =	vst v63  }
0x79: {  	s25 =	spop (v2sf)  }
0x7a: {  	s26 =	sshll.u32 s25, $0x7  }
0x7b: {  	s19 =	sshll.u32 s25, $0x4;
	s20 =	sand.u32 $0xFFFFFC00, s26  }
0x7c: {  	s19 =	sand.u32 $0x70, s19;
	s20 =	sadd.s32 s12, s20  }
0x7d: {  	s19 =	sor.u32 s19, s20  }
0x7e: {  	s28 =	spop (v2sf);
	s19 =	sshrl.u32 s19, $0x3  }
0x7f: {  	s29 =	sshll.u32 s28, $0x7;
	s19 =	sadd.s32 s19, s10  }
0x80: {  	[hbm4b:s19+s3] =	stream.linear.scatter [tilespmem:s17], [sflag:$0x1], $0x10, $0x38;
	[tilespmem:$0x100] =	vst v63  }
0x81: {  	s20 =	sand.u32 $0xFFFFFC00, s29;
	s19 =	sshll.u32 s28, $0x4  }
0x82: {  	s20 =	sadd.s32 s12, s20;
	s19 =	sand.u32 $0x70, s19  }
0x83: {  	s19 =	sor.u32 s19, s20  }
0x84: {  	s19 =	sshrl.u32 s19, $0x3  }
0x85: {  	s19 =	sadd.s32 s19, s11  }
0x86: {  	[hbm4b:s19+s3] =	stream.linear.scatter [tilespmem:s17], [sflag:$0x1], $0x10, $0x38;
	[tilespmem:$0x100] =	vst v63  }
0x87: {  	v63 =	vld [tilespmem:$0x10];
	_ =	sdelay $0x4  }
0x88: {  	(v2sf) =	vpush v63, $0x0;
	_ =	sdelay $0x5  }
0x89: {  	(v2sf) =	vpush v63, $0x1;
	_ =	sdelay $0x6  }
0x8a: {  	(v2sf) =	vpush v63, $0x2;
	_ =	sdelay $0x1  }
0x8b: {  	s30 =	spop (v2sf);
	(v2sf) =	vpush v63, $0x3;
	_ =	sdelay $0x5  }
0x8c: {  	s21 =	spop (v2sf);
	(v2sf) =	vpush v63, $0x4;
	_ =	sdelay $0x1  }
0x8d: {  	s31 =	sshll.u32 s30, $0x7  }
0x8e: {  	s19 =	sshll.u32 s30, $0x4;
	s20 =	sand.u32 $0xFFFFFC00, s31  }
0x8f: {  	s19 =	sand.u32 $0x70, s19;
	s20 =	sadd.s32 s13, s20  }
0x90: {  	s19 =	sor.u32 s19, s20  }
0x91: {  	s19 =	sshrl.u32 s19, $0x3  }
0x92: {  	s22 =	sshll.u32 s21, $0x7;
	s23 =	spop (v2sf);
	s19 =	sadd.s32 s2, s19  }
0x93: {  	[hbm4b:s19+s3] =	stream.linear.scatter [tilespmem:s17], [sflag:$0x1], $0x10, $0x38;
	[tilespmem:$0x100] =	vst v63  }
0x94: {  	s20 =	sand.u32 $0xFFFFFC00, s22;
	s19 =	sshll.u32 s21, $0x4;
	s25 =	spop (v2sf);
	(v2sf) =	vpush v63, $0x5  }
0x95: {  	s20 =	sadd.s32 s13, s20;
	s19 =	sand.u32 $0x70, s19  }
0x96: {  	s19 =	sor.u32 s19, s20  }
0x97: {  	s19 =	sshrl.u32 s19, $0x3  }
0x98: {  	s19 =	sadd.s32 s19, s5  }
0x99: {  	[hbm4b:s19+s3] =	stream.linear.scatter [tilespmem:s17], [sflag:$0x1], $0x10, $0x38;
	[tilespmem:$0x100] =	vst v63  }
0x9a: {  	s24 =	sshll.u32 s23, $0x7;
	s28 =	spop (v2sf);
	(v2sf) =	vpush v63, $0x6  }
0x9b: {  	s20 =	sshll.u32 s23, $0x4;
	s19 =	sand.u32 $0xFFFFFC00, s24  }
0x9c: {  	s20 =	sand.u32 $0x70, s20;
	s19 =	sadd.s32 s13, s19  }
0x9d: {  	s19 =	sor.u32 s20, s19  }
0x9e: {  	s19 =	sshrl.u32 s19, $0x3  }
0x9f: {  	s19 =	sadd.s32 s19, s6;
	s26 =	sshll.u32 s25, $0x7  }
0xa0: {  	[hbm4b:s19+s3] =	stream.linear.scatter [tilespmem:s17], [sflag:$0x1], $0x10, $0x38;
	[tilespmem:$0x100] =	vst v63  }
0xa1: {  	s20 =	sand.u32 $0xFFFFFC00, s26;
	s19 =	sshll.u32 s25, $0x4  }
0xa2: {  	s20 =	sadd.s32 s13, s20;
	s19 =	sand.u32 $0x70, s19  }
0xa3: {  	s19 =	sor.u32 s19, s20;
	s30 =	spop (v2sf);
	(v2sf) =	vpush v63, $0x7  }
0xa4: {  	s19 =	sshrl.u32 s19, $0x3  }
0xa5: {  	s29 =	sshll.u32 s28, $0x7;
	s19 =	sadd.s32 s19, s7  }
0xa6: {  	[hbm4b:s19+s3] =	stream.linear.scatter [tilespmem:s17], [sflag:$0x1], $0x10, $0x38;
	[tilespmem:$0x100] =	vst v63  }
0xa7: {  	s20 =	sshll.u32 s28, $0x4;
	s19 =	sand.u32 $0xFFFFFC00, s29  }
0xa8: {  	s20 =	sand.u32 $0x70, s20;
	s19 =	sadd.s32 s13, s19  }
0xa9: {  	s19 =	sor.u32 s20, s19;
	s21 =	spop (v2sf);
	(v2sf) =	vpush v63, $0x8  }
0xaa: {  	s19 =	sshrl.u32 s19, $0x3  }
0xab: {  	s19 =	sadd.s32 s19, s8  }
0xac: {  	[hbm4b:s19+s3] =	stream.linear.scatter [tilespmem:s17], [sflag:$0x1], $0x10, $0x38;
	[tilespmem:$0x100] =	vst v63  }
0xad: {  	s31 =	sshll.u32 s30, $0x7  }
0xae: {  	s19 =	sshll.u32 s30, $0x4;
	s20 =	sand.u32 $0xFFFFFC00, s31  }
0xaf: {  	s19 =	sand.u32 $0x70, s19;
	s20 =	sadd.s32 s13, s20  }
0xb0: {  	s19 =	sor.u32 s19, s20  }
0xb1: {  	s19 =	sshrl.u32 s19, $0x3  }
0xb2: {  	s22 =	sshll.u32 s21, $0x7;
	s19 =	sadd.s32 s19, s9;
	s23 =	spop (v2sf);
	(v2sf) =	vpush v63, $0x9  }
0xb3: {  	[hbm4b:s19+s3] =	stream.linear.scatter [tilespmem:s17], [sflag:$0x1], $0x10, $0x38;
	[tilespmem:$0x100] =	vst v63  }
0xb4: {  	s20 =	sshll.u32 s21, $0x4;
	s19 =	sand.u32 $0xFFFFFC00, s22  }
0xb5: {  	s20 =	sand.u32 $0x70, s20;
	s19 =	sadd.s32 s13, s19  }
0xb6: {  	s19 =	sor.u32 s20, s19  }
0xb7: {  	s19 =	sshrl.u32 s19, $0x3  }
0xb8: {  	s19 =	sadd.s32 s19, s10;
	s25 =	spop (v2sf);
	(v2sf) =	vpush v63, $0xA  }
0xb9: {  	[hbm4b:s19+s3] =	stream.linear.scatter [tilespmem:s17], [sflag:$0x1], $0x10, $0x38;
	[tilespmem:$0x100] =	vst v63  }
0xba: {  	s24 =	sshll.u32 s23, $0x7  }
0xbb: {  	s19 =	sshll.u32 s23, $0x4;
	s20 =	sand.u32 $0xFFFFFC00, s24  }
0xbc: {  	s19 =	sand.u32 $0x70, s19;
	s20 =	sadd.s32 s13, s20  }
0xbd: {  	s19 =	sor.u32 s19, s20  }
0xbe: {  	s19 =	sshrl.u32 s19, $0x3  }
0xbf: {  	s26 =	sshll.u32 s25, $0x7;
	s19 =	sadd.s32 s19, s11  }
0xc0: {  	[hbm4b:s19+s3] =	stream.linear.scatter [tilespmem:s17], [sflag:$0x1], $0x10, $0x38;
	[tilespmem:$0x100] =	vst v63  }
0xc1: {  	s20 =	sshll.u32 s25, $0x4;
	s19 =	sand.u32 $0xFFFFFC00, s26;
	s28 =	spop (v2sf);
	(v2sf) =	vpush v63, $0xB  }
0xc2: {  	s20 =	sand.u32 $0x70, s20;
	s19 =	sadd.s32 s14, s19  }
0xc3: {  	s19 =	sor.u32 s20, s19  }
0xc4: {  	s19 =	sshrl.u32 s19, $0x3  }
0xc5: {  	s19 =	sadd.s32 s2, s19  }
0xc6: {  	[hbm4b:s19+s3] =	stream.linear.scatter [tilespmem:s17], [sflag:$0x1], $0x10, $0x38;
	[tilespmem:$0x100] =	vst v63  }
0xc7: {  	s29 =	sshll.u32 s28, $0x7;
	s30 =	spop (v2sf);
	(v2sf) =	vpush v63, $0xC  }
0xc8: {  	s19 =	sshll.u32 s28, $0x4;
	s20 =	sand.u32 $0xFFFFFC00, s29  }
0xc9: {  	s19 =	sand.u32 $0x70, s19;
	s20 =	sadd.s32 s14, s20  }
0xca: {  	s19 =	sor.u32 s19, s20  }
0xcb: {  	s19 =	sshrl.u32 s19, $0x3  }
0xcc: {  	s31 =	sshll.u32 s30, $0x7;
	s19 =	sadd.s32 s19, s5  }
0xcd: {  	[hbm4b:s19+s3] =	stream.linear.scatter [tilespmem:s17], [sflag:$0x1], $0x10, $0x38;
	[tilespmem:$0x100] =	vst v63  }
0xce: {  	s20 =	sshll.u32 s30, $0x4;
	s19 =	sand.u32 $0xFFFFFC00, s31  }
0xcf: {  	s20 =	sand.u32 $0x70, s20;
	s19 =	sadd.s32 s14, s19  }
0xd0: {  	s19 =	sor.u32 s20, s19;
	s21 =	spop (v2sf);
	(v2sf) =	vpush v63, $0xD  }
0xd1: {  	s19 =	sshrl.u32 s19, $0x3  }
0xd2: {  	s19 =	sadd.s32 s19, s6  }
0xd3: {  	[hbm4b:s19+s3] =	stream.linear.scatter [tilespmem:s17], [sflag:$0x1], $0x10, $0x38;
	[tilespmem:$0x100] =	vst v63  }
0xd4: {  	s22 =	sshll.u32 s21, $0x7  }
0xd5: {  	s19 =	sshll.u32 s21, $0x4;
	s20 =	sand.u32 $0xFFFFFC00, s22  }
0xd6: {  	s23 =	spop (v2sf);
	(v2sf) =	vpush v63, $0xE;
	s19 =	sand.u32 $0x70, s19;
	s20 =	sadd.s32 s14, s20  }
0xd7: {  	s19 =	sor.u32 s19, s20  }
0xd8: {  	s19 =	sshrl.u32 s19, $0x3  }
0xd9: {  	s24 =	sshll.u32 s23, $0x7;
	s19 =	sadd.s32 s19, s7  }
0xda: {  	[hbm4b:s19+s3] =	stream.linear.scatter [tilespmem:s17], [sflag:$0x1], $0x10, $0x38;
	[tilespmem:$0x100] =	vst v63  }
0xdb: {  	s20 =	sshll.u32 s23, $0x4;
	s19 =	sand.u32 $0xFFFFFC00, s24  }
0xdc: {  	s20 =	sand.u32 $0x70, s20;
	s19 =	sadd.s32 s14, s19  }
0xdd: {  	s19 =	sor.u32 s20, s19  }
0xde: {  	s19 =	sshrl.u32 s19, $0x3  }
0xdf: {  	s19 =	sadd.s32 s19, s8;
	s25 =	spop (v2sf);
	(v2sf) =	vpush v63, $0xF  }
0xe0: {  	[hbm4b:s19+s3] =	stream.linear.scatter [tilespmem:s17], [sflag:$0x1], $0x10, $0x38;
	[tilespmem:$0x100] =	vst v63  }
0xe1: {  	s26 =	sshll.u32 s25, $0x7  }
0xe2: {  	s19 =	sshll.u32 s25, $0x4;
	s20 =	sand.u32 $0xFFFFFC00, s26  }
0xe3: {  	s19 =	sand.u32 $0x70, s19;
	s20 =	sadd.s32 s14, s20  }
0xe4: {  	s19 =	sor.u32 s19, s20  }
0xe5: {  	s28 =	spop (v2sf);
	s19 =	sshrl.u32 s19, $0x3  }
0xe6: {  	s29 =	sshll.u32 s28, $0x7;
	s19 =	sadd.s32 s19, s9  }
0xe7: {  	[hbm4b:s19+s3] =	stream.linear.scatter [tilespmem:s17], [sflag:$0x1], $0x10, $0x38;
	[tilespmem:$0x100] =	vst v63  }
0xe8: {  	s20 =	sshll.u32 s28, $0x4;
	s19 =	sand.u32 $0xFFFFFC00, s29  }
0xe9: {  	s20 =	sand.u32 $0x70, s20;
	s19 =	sadd.s32 s14, s19  }
0xea: {  	s19 =	sor.u32 s20, s19  }
0xeb: {  	s19 =	sshrl.u32 s19, $0x3  }
0xec: {  	s19 =	sadd.s32 s19, s10  }
0xed: {  	[hbm4b:s19+s3] =	stream.linear.scatter [tilespmem:s17], [sflag:$0x1], $0x10, $0x38;
	[tilespmem:$0x100] =	vst v63  }
0xee: {  	s30 =	spop (v2sf)  }
0xef: {  	s31 =	sshll.u32 s30, $0x7  }
0xf0: {  	s19 =	sshll.u32 s30, $0x4;
	s20 =	sand.u32 $0xFFFFFC00, s31  }
0xf1: {  	s19 =	sand.u32 $0x70, s19;
	s20 =	sadd.s32 s14, s20  }
0xf2: {  	s19 =	sor.u32 s19, s20  }
0xf3: {  	s19 =	sshrl.u32 s19, $0x3  }
0xf4: {  	s19 =	sadd.s32 s19, s11  }
0xf5: {  	[hbm4b:s19+s3] =	stream.linear.scatter [tilespmem:s17], [sflag:$0x1], $0x10, $0x38;
	[tilespmem:$0x100] =	vst v63  }
0xf6: {  	_ =	swait.ge [sflag:s18], $0x10  }
0xf7: {  	[sflag:s18] =	ssyncset.done $0x0  }
0xf8: {  	[sflag:s18] =	ssyncadd.s32 $0xFFFFFFF0  }
0xf9: {  	_ =	swait.ge [sflag:s18], $0x10  }
0xfa: {  	[sflag:s18] =	ssyncset.done $0x0  }
0xfb: {  	[sflag:s18] =	ssyncadd.s32 $0xFFFFFFF0  }
0xfc: {  	_ =	swait.ge [sflag:s18], $0x10  }
0xfd: {  	[sflag:s18] =	ssyncset.done $0x0  }
0xfe: {  	[sflag:s18] =	ssyncadd.s32 $0xFFFFFFF0  }
0xff: {  	_ =	swait.ge [sflag:s18], $0x10  }
0x100: {  	[sflag:s18] =	ssyncset.done $0x0  }
0x101: {  	[sflag:s18] =	ssyncadd.s32 $0xFFFFFFF0  }
0x102: {  	_ =	swait.ge [sflag:s18], $0x10  }
0x103: {  	[sflag:s18] =	ssyncset.done $0x0  }
0x104: {  	[sflag:s18] =	ssyncadd.s32 $0xFFFFFFF0  }
0x105: {  	_ =	swait.ge [sflag:s18], $0x10  }
0x106: {  	[sflag:s18] =	ssyncset.done $0x0  }
0x107: {  	[sflag:s18] =	ssyncadd.s32 $0xFFFFFFF0  }
0x108: {  	_ =	swait.ge [sflag:s18], $0x10  }
0x109: {  	[sflag:s18] =	ssyncset.done $0x0  }
0x10a: {  	[sflag:s18] =	ssyncadd.s32 $0xFFFFFFF0  }
0x10b: {  	_ =	swait.ge [sflag:s18], $0x10  }
0x10c: {  	[sflag:s18] =	ssyncset.done $0x0  }
0x10d: {  	[sflag:s18] =	ssyncadd.s32 $0xFFFFFFF0  }
0x10e: {  	_ =	swait.ge [sflag:s18], $0x10  }
0x10f: {  	[sflag:s18] =	ssyncset.done $0x0  }
0x110: {  	[sflag:s18] =	ssyncadd.s32 $0xFFFFFFF0  }
0x111: {  	_ =	swait.ge [sflag:s18], $0x10  }
0x112: {  	[sflag:s18] =	ssyncset.done $0x0  }
0x113: {  	[sflag:s18] =	ssyncadd.s32 $0xFFFFFFF0  }
0x114: {  	_ =	swait.ge [sflag:s18], $0x10  }
0x115: {  	[sflag:s18] =	ssyncset.done $0x0  }
0x116: {  	[sflag:s18] =	ssyncadd.s32 $0xFFFFFFF0  }
0x117: {  	_ =	swait.ge [sflag:s18], $0x10  }
0x118: {  	[sflag:s18] =	ssyncset.done $0x0  }
0x119: {  	[sflag:s18] =	ssyncadd.s32 $0xFFFFFFF0  }
0x11a: {  	_ =	swait.ge [sflag:s18], $0x10  }
0x11b: {  	[sflag:s18] =	ssyncset.done $0x0  }
0x11c: {  	[sflag:s18] =	ssyncadd.s32 $0xFFFFFFF0  }
0x11d: {  	_ =	swait.ge [sflag:s18], $0x10  }
0x11e: {  	[sflag:s18] =	ssyncset.done $0x0  }
0x11f: {  	[sflag:s18] =	ssyncadd.s32 $0xFFFFFFF0  }
0x120: {  	_ =	swait.ge [sflag:s18], $0x10  }
0x121: {  	[sflag:s18] =	ssyncset.done $0x0  }
0x122: {  	[sflag:s18] =	ssyncadd.s32 $0xFFFFFFF0  }
0x123: {  	_ =	swait.ge [sflag:s18], $0x10  }
0x124: {  	[sflag:s18] =	ssyncset.done $0x0  }
0x125: {  	[sflag:s18] =	ssyncadd.s32 $0xFFFFFFF0  }
0x126: {  	_ =	swait.ge [sflag:s18], $0x10  }
0x127: {  	[sflag:s18] =	ssyncset.done $0x0  }
0x128: {  	[sflag:s18] =	ssyncadd.s32 $0xFFFFFFF0  }
0x129: {  	_ =	swait.ge [sflag:s18], $0x10  }
0x12a: {  	[sflag:s18] =	ssyncset.done $0x0  }
0x12b: {  	[sflag:s18] =	ssyncadd.s32 $0xFFFFFFF0  }
0x12c: {  	_ =	swait.ge [sflag:s18], $0x10  }
0x12d: {  	[sflag:s18] =	ssyncset.done $0x0  }
0x12e: {  	[sflag:s18] =	ssyncadd.s32 $0xFFFFFFF0  }
0x12f: {  	_ =	swait.ge [sflag:s18], $0x10  }
0x130: {  	[sflag:s18] =	ssyncset.done $0x0  }
0x131: {  	[sflag:s18] =	ssyncadd.s32 $0xFFFFFFF0  }
0x132: {  	_ =	swait.ge [sflag:s18], $0x10  }
0x133: {  	[sflag:s18] =	ssyncset.done $0x0  }
0x134: {  	[sflag:s18] =	ssyncadd.s32 $0xFFFFFFF0  }
0x135: {  	_ =	swait.ge [sflag:s18], $0x10  }
0x136: {  	[sflag:s18] =	ssyncset.done $0x0  }
0x137: {  	[sflag:s18] =	ssyncadd.s32 $0xFFFFFFF0  }
0x138: {  	_ =	swait.ge [sflag:s18], $0x10  }
0x139: {  	[sflag:s18] =	ssyncset.done $0x0  }
0x13a: {  	[sflag:s18] =	ssyncadd.s32 $0xFFFFFFF0  }
0x13b: {  	_ =	swait.ge [sflag:s18], $0x10  }
0x13c: {  	[sflag:s18] =	ssyncset.done $0x0  }
0x13d: {  	[sflag:s18] =	ssyncadd.s32 $0xFFFFFFF0  }
0x13e: {  	_ =	swait.ge [sflag:s18], $0x10  }
0x13f: {  	[sflag:s18] =	ssyncset.done $0x0  }
0x140: {  	[sflag:s18] =	ssyncadd.s32 $0xFFFFFFF0  }
0x141: {  	_ =	swait.ge [sflag:s18], $0x10  }
0x142: {  	[sflag:s18] =	ssyncset.done $0x0  }
0x143: {  	[sflag:s18] =	ssyncadd.s32 $0xFFFFFFF0  }
0x144: {  	_ =	swait.ge [sflag:s18], $0x10  }
0x145: {  	[sflag:s18] =	ssyncset.done $0x0  }
0x146: {  	[sflag:s18] =	ssyncadd.s32 $0xFFFFFFF0  }
0x147: {  	_ =	swait.ge [sflag:s18], $0x10  }
0x148: {  	[sflag:s18] =	ssyncset.done $0x0  }
0x149: {  	[sflag:s18] =	ssyncadd.s32 $0xFFFFFFF0  }
0x14a: {  	_ =	swait.ge [sflag:s18], $0x10  }
0x14b: {  	[sflag:s18] =	ssyncset.done $0x0  }
0x14c: {  	[sflag:s18] =	ssyncadd.s32 $0xFFFFFFF0  }
0x14d: {  	_ =	swait.ge [sflag:s18], $0x10  }
0x14e: {  	[sflag:s18] =	ssyncset.done $0x0  }
0x14f: {  	[sflag:s18] =	ssyncadd.s32 $0xFFFFFFF0  }
0x150: {  	p0 =	sne.s32 s15, $0x1;
	_ =	swait.ge [sflag:s18], $0x10  }
.Ltmp0:
0x151: {  	[sflag:s18] =	ssyncset.done $0x0;
	(pc) =	sbr.rel @p0 .LBB2_1-.Ltmp0, $4  }
0x152: {  	[sflag:s18] =	ssyncadd.s32 $0xFFFFFFF0  }
0x153: {  	_ =	swait.ge [sflag:s18], $0x10  }
0x154: {  	[sflag:s18] =	ssyncset.done $0x0  }
0x155: {  	s15 =	sadd.s32 $0xFFFFFFFF, s15;
	[sflag:s18] =	ssyncadd.s32 $0xFFFFFFF0  }
0x156: {  	_ =	sfence.sel $0x180000  }
0x157: {  	[bflag:$0x0] =	sbarrier.arrive $0xFFFF  }
0x158: {  	p0 =	sne.s32 s1, $0x0;
	_ =	strace $0x90000047  }
0x159: {  	s0 =	sadd.s32 @!p0 $0x100000, s0;
	[bflag:$0x2] =	sbarrier.arrive $0xFFFF  }
0x15a: {  	[sflag:s0] =	ssyncadd.tile.s32 @!p0 $0x1;
	_ =	shalt  }
.Lfunc_end2:
_tile_overlayer_lowered:
.L_overlay_start_2:
0x15b: {  	(tag) =	ssettag $0x2  }
0x15c: {  	s0 =	rddreg [dreg:$0x0];
	s2 =	stileid.u32  }
0x15d: {  	s1 =	rddreg [dreg:$0x1];
	p0 =	sne.s32 s2, $0x0  }
0x15e: {  	s3 =	rddreg [dreg:$0x2];
	[bflag:$0x3] =	sbarrier.arrive $0xFFFF;
	s2 =	simm.s32 @!p0 $0x1C02  }
0x15f: {  	[timem:s3], [sflag:s2] =	dma.local @!p0 [hbm:s0], s1  }
0x160: {  	s0 =	simm.s32 @!p0 $0x2  }
0x161: {  	_ =	swait.ge @!p0 [sflag:s0], s1  }
0x162: {  	s1 =	ssub.s32 @!p0 $0x0, s1;
	[sflag:s0] =	ssyncset.done @!p0 $0x0  }
0x163: {  	[sflag:s0] =	ssyncadd.s32 @!p0 s1  }
0x164: {  	[bflag:$0x3] =	sbarrier.arrive $0xFFFF  }
0x165: {  	_ =	shalt  }

</sc_bundles>
